<compile_context>
chip_gen: v7x
topology: tpu7x:2x2x1
jax: 0.10.2.dev20260603
libtpu: 0.0.44.dev20260713+nightly
codegen_flags: <defaults>
</compile_context>

<pallas_src>
import jax
import jax.numpy as jnp
from jax import lax
from jax.experimental import pallas as pl
from jax.experimental.pallas import tpu as pltpu
from jax.experimental.pallas import tpu_sc as plsc

_TOP_K = 200
_CONF = 0.01
_NMS = 0.45
_VAR0 = 0.1
_VAR1 = 0.2
_P = 5120
_PART = 640
_NV = _PART // 16
_NEG = -1e30
_BIGF = float(2 ** 30)


def _nms_body(s_hbm, x1_hbm, y1_hbm, x2_hbm, y2_hbm, out_hbm, cand_hbm,
              sref, x1r, y1r, x2r, y2r, ar, rowb, candb, outb):
    c = lax.axis_index("c")
    sid = lax.axis_index("s")
    b = c * 2 + sid // 8
    p = sid % 8
    off = p * _PART

    pltpu.sync_copy(s_hbm.at[b, pl.ds(off, _PART)], sref)
    pltpu.sync_copy(x1_hbm.at[b, pl.ds(off, _PART)], x1r)
    pltpu.sync_copy(y1_hbm.at[b, pl.ds(off, _PART)], y1r)
    pltpu.sync_copy(x2_hbm.at[b, pl.ds(off, _PART)], x2r)
    pltpu.sync_copy(y2_hbm.at[b, pl.ds(off, _PART)], y2r)

    iota_i = lax.iota(jnp.int32, 16)
    e0, e1, e2, e3, e4, e5, e6 = (
        jnp.where(iota_i == i, 1.0, 0.0) for i in range(7))

    def init_body(v, carry):
        bk, bv = carry
        idx = iota_i + v * 16
        x1v = plsc.load_gather(x1r, [idx])
        y1v = plsc.load_gather(y1r, [idx])
        x2v = plsc.load_gather(x2r, [idx])
        y2v = plsc.load_gather(y2r, [idx])
        plsc.store_scatter(ar, [idx], (x2v - x1v) * (y2v - y1v))
        sv = plsc.load_gather(sref, [idx])
        nsv = jnp.where(sv > _CONF, sv, _NEG)
        plsc.store_scatter(sref, [idx], nsv)
        upd = nsv > bk
        return (jnp.where(upd, nsv, bk),
                jnp.where(upd, (idx + off).astype(jnp.float32), bv))

    bk0, bv0 = lax.fori_loop(0, _NV, init_body, (
        jnp.full((16,), _NEG, jnp.float32),
        jnp.full((16,), _BIGF, jnp.float32)))

    def body(k, carry):
        bk, bv = carry
        mt = jnp.max(bk)
        vt = jnp.min(jnp.where(bk == mt, bv, _BIGF))
        li = jnp.where(mt > _CONF, vt.astype(jnp.int32) - off, 0)
        liv = jnp.full((16,), li, jnp.int32)
        gx1 = plsc.load_gather(x1r, [liv])
        gy1 = plsc.load_gather(y1r, [liv])
        gx2 = plsc.load_gather(x2r, [liv])
        gy2 = plsc.load_gather(y2r, [liv])
        gar = plsc.load_gather(ar, [liv])
        row = (jnp.full((16,), mt, jnp.float32) * e0 + gx1 * e1 + gy1 * e2
               + gx2 * e3 + gy2 * e4 + gar * e5
               + jnp.full((16,), vt, jnp.float32) * e6)
        rowb[...] = row

        par = k % 2
        pltpu.sync_copy(rowb, cand_hbm.at[par, b * 8 + p])
        plsc.subcore_barrier()
        pltpu.sync_copy(cand_hbm.at[par, pl.ds(b * 8, 8)], candb)

        r8 = jnp.minimum(iota_i, 7)
        s8 = plsc.load_gather(candb, [r8, jnp.full((16,), 0, jnp.int32)])
        g8 = plsc.load_gather(candb, [r8, jnp.full((16,), 6, jnp.int32)])
        m = jnp.max(s8)
        found = m > _CONF
        widx = jnp.min(jnp.where(s8 == m, g8, _BIGF))
        jstar = jnp.where(found, widx.astype(jnp.int32) // _PART, 0)
        jv = jnp.full((16,), jstar, jnp.int32)
        wx1 = plsc.load_gather(candb, [jv, jnp.full((16,), 1, jnp.int32)])
        wy1 = plsc.load_gather(candb, [jv, jnp.full((16,), 2, jnp.int32)])
        wx2 = plsc.load_gather(candb, [jv, jnp.full((16,), 3, jnp.int32)])
        wy2 = plsc.load_gather(candb, [jv, jnp.full((16,), 4, jnp.int32)])
        war = plsc.load_gather(candb, [jv, jnp.full((16,), 5, jnp.int32)])


        @pl.when(p == 0)
        def _():
            scale = jnp.full((16,), jnp.where(found, 1.0, 0.0), jnp.float32)
            orow = (jnp.full((16,), m, jnp.float32) * e0 + wx1 * e1
                    + wy1 * e2 + wx2 * e3 + wy2 * e4) * scale
            plsc.store_scatter(
                outb, [jnp.full((16,), k, jnp.int32), iota_i], orow)

        thrv = jnp.full((16,), jnp.where(found, _NMS, 2e30), jnp.float32)

        @plsc.parallel_loop(0, _NV, unroll=4, carry=(
            jnp.full((16,), _NEG, jnp.float32),
            jnp.full((16,), _BIGF, jnp.float32)))
        def sup_scan(v, carry):
            nbk, nbv = carry
            idx = iota_i + v * 16
            x1v = plsc.load_gather(x1r, [idx])
            y1v = plsc.load_gather(y1r, [idx])
            x2v = plsc.load_gather(x2r, [idx])
            y2v = plsc.load_gather(y2r, [idx])
            av = plsc.load_gather(ar, [idx])
            xx1 = jnp.maximum(wx1, x1v)
            yy1 = jnp.maximum(wy1, y1v)
            xx2 = jnp.minimum(wx2, x2v)
            yy2 = jnp.minimum(wy2, y2v)
            inter = jnp.maximum(xx2 - xx1, 0.0) * jnp.maximum(yy2 - yy1, 0.0)
            union = (war + av) - inter
            iou = inter / jnp.maximum(union, 1e-12)
            kill = iou > thrv
            sv = plsc.load_gather(sref, [idx])
            nsv = jnp.where(kill, _NEG, sv)
            plsc.store_scatter(sref, [idx], nsv)
            gv = (idx + off).astype(jnp.float32)
            upd = (nsv > nbk) | ((nsv == nbk) & (gv < nbv))
            return (jnp.where(upd, nsv, nbk), jnp.where(upd, gv, nbv))

        return sup_scan

    lax.fori_loop(0, _TOP_K, body, (bk0, bv0))

    @pl.when(p == 0)
    def _():
        pltpu.sync_copy(outb, out_hbm.at[b])


def _run_nms(s_p, x1_p, y1_p, x2_p, y2_p):
    num = s_p.shape[0]
    mesh = plsc.VectorSubcoreMesh(core_axis_name="c", subcore_axis_name="s",
                                  num_cores=2, num_subcores=16)
    f = pl.kernel(
        _nms_body,
        out_type=(jax.ShapeDtypeStruct((num, _TOP_K, 16), jnp.float32),
                  jax.ShapeDtypeStruct((2, 32, 16), jnp.float32)),
        mesh=mesh,
        compiler_params=pltpu.CompilerParams(needs_layout_passes=False),
        scratch_types=[
            pltpu.VMEM((_PART,), jnp.float32),
            pltpu.VMEM((_PART,), jnp.float32),
            pltpu.VMEM((_PART,), jnp.float32),
            pltpu.VMEM((_PART,), jnp.float32),
            pltpu.VMEM((_PART,), jnp.float32),
            pltpu.VMEM((_PART,), jnp.float32),
            pltpu.VMEM((16,), jnp.float32),
            pltpu.VMEM((8, 16), jnp.float32),
            pltpu.VMEM((_TOP_K, 16), jnp.float32),
        ],
    )
    return f(s_p, x1_p, y1_p, x2_p, y2_p)[0]


def kernel(loc_data, conf_data, prior_data):
    num = loc_data.shape[0]
    conf = jax.nn.softmax(conf_data, axis=-1)
    scores = conf[:, :, 1]
    decs = []
    for i in range(num):
        loci = loc_data[i]
        xy = prior_data[:, :2] + loci[:, :2] * _VAR0 * prior_data[:, 2:]
        wh = prior_data[:, 2:] * jnp.exp(loci[:, 2:] * _VAR1)
        x1y1 = xy - wh / 2.0
        x2y2 = wh + x1y1
        decs.append(jnp.concatenate([x1y1, x2y2], axis=1))
    dec = jnp.stack(decs)
    pad = _P - scores.shape[1]

    def padp(a):
        return jnp.pad(a, ((0, 0), (0, pad)))

    raw = _run_nms(padp(scores),
                   padp(dec[:, :, 0]), padp(dec[:, :, 1]),
                   padp(dec[:, :, 2]), padp(dec[:, :, 3]))
    out = jnp.zeros((num, 2, _TOP_K, 5), jnp.float32)
    return out.at[:, 1].set(raw[:, :_TOP_K, :5])

# --- scband reference (transcript-rebuilt; emitter-appended) ---
"""Pipeline reference for scband-post-rois-28381143892896 (READ-ONLY COPY).

The authoritative reference and input builder live on the scoring server;
editing this copy changes nothing except your own understanding.
"""

import jax, jax.numpy as jnp
import numpy as np

NUM_CLASSES = 2
TOP_K = 200
CONF_THRESH = 0.01
NMS_THRESH = 0.45
VARIANCE = (0.1, 0.2)


def setup_inputs(seed: int = 0) -> dict:
    key = jax.random.key(seed)
    k1, k2, k3 = jax.random.split(key, 3)
    loc_data = jax.random.normal(k1, (4, 5000, 4), dtype=jnp.float32)
    conf_data = jax.random.normal(k2, (4, 5000, 2), dtype=jnp.float32)
    prior_data = jax.random.uniform(k3, (5000, 4), dtype=jnp.float32)
    return {"loc_data": loc_data, "conf_data": conf_data, "prior_data": prior_data}


def decode(loc, priors, variances):
    # standard SSD decode: loc offsets + priors (cx, cy, w, h) -> (x1, y1, x2, y2)
    xy = priors[:, :2] + loc[:, :2] * variances[0] * priors[:, 2:]
    wh = priors[:, 2:] * jnp.exp(loc[:, 2:] * variances[1])
    x1y1 = xy - wh / 2.0
    x2y2 = wh + x1y1
    return jnp.concatenate([x1y1, x2y2], axis=1)


def _iou_matrix(b):
    x1, y1, x2, y2 = b[:, 0], b[:, 1], b[:, 2], b[:, 3]
    area = (x2 - x1) * (y2 - y1)
    xx1 = jnp.maximum(x1[:, None], x1[None, :])
    yy1 = jnp.maximum(y1[:, None], y1[None, :])
    xx2 = jnp.minimum(x2[:, None], x2[None, :])
    yy2 = jnp.minimum(y2[:, None], y2[None, :])
    inter = jnp.clip(xx2 - xx1, 0.0) * jnp.clip(yy2 - yy1, 0.0)
    union = area[:, None] + area[None, :] - inter
    return inter / jnp.maximum(union, 1e-12)


def nms(boxes, scores, iou_threshold, valid):
    # greedy NMS matching torchvision.ops.nms semantics restricted to valid
    # boxes; returns the sort order (decreasing score, invalid last) and a
    # boolean keep vector in that sorted order
    order = jnp.argsort(jnp.where(valid, -scores, jnp.inf))
    b = boxes[order]
    v = valid[order]
    iou = _iou_matrix(b)
    n = b.shape[0]
    idxs = jnp.arange(n)

    def body(i, keep):
        sup = jnp.any((iou[:, i] > iou_threshold) & keep & (idxs < i))
        return keep.at[i].set(jnp.logical_not(sup) & v[i])

    keep = jax.lax.fori_loop(0, n, body, jnp.zeros((n,), dtype=bool))
    return order, keep


def reference(loc_data, conf_data, prior_data):
    num = loc_data.shape[0]
    num_priors = prior_data.shape[0]
    conf = jax.nn.softmax(conf_data, axis=-1)
    conf_preds = conf.reshape(num, num_priors, NUM_CLASSES).transpose(0, 2, 1)
    output = jnp.zeros((num, 2, TOP_K, 5), dtype=jnp.float32)
    for i in range(num):
        decoded = decode(loc_data[i], prior_data, VARIANCE)
        for cl in range(1, NUM_CLASSES):
            cscores = conf_preds[i, cl]
            mask = cscores > CONF_THRESH
            order, keep = nms(decoded, cscores, NMS_THRESH, mask)
            rank = jnp.cumsum(keep.astype(jnp.int32)) - 1
            writable = keep & (rank < TOP_K)
            target = jnp.where(writable, rank, TOP_K)
            vals = jnp.concatenate(
                [cscores[order][:, None], decoded[order]], axis=1
            )
            vals = jnp.where(writable[:, None], vals, 0.0)
            buf = jnp.zeros((TOP_K + 1, 5), dtype=jnp.float32)
            buf = buf.at[target].set(vals)
            output = output.at[i, cl].set(buf[:TOP_K])
    return output

if __name__ == "__main__":
    import jax
    _d = setup_inputs()
    print(jax.jit(kernel)(*tuple(_d.values())))

</pallas_src>

<mosaic_0001>
#map = affine_map<(d0, d1) -> (0, 0)>
#map1 = affine_map<(d0, d1) -> (0, 0, 0)>
module attributes {stable_mosaic.version = 14 : i64} {
  func.func @_nms_body(%arg0: i32, %arg1: i32, %arg2: memref<4x5120xf32, #tpu.memory_space<hbm>>, %arg3: memref<4x5120xf32, #tpu.memory_space<hbm>>, %arg4: memref<4x5120xf32, #tpu.memory_space<hbm>>, %arg5: memref<4x5120xf32, #tpu.memory_space<hbm>>, %arg6: memref<4x5120xf32, #tpu.memory_space<hbm>>, %arg7: memref<4x200x16xf32, #tpu.memory_space<hbm>>, %arg8: memref<2x32x16xf32, #tpu.memory_space<hbm>>, %arg9: memref<640xf32, #tpu.memory_space<vmem>>, %arg10: memref<640xf32, #tpu.memory_space<vmem>>, %arg11: memref<640xf32, #tpu.memory_space<vmem>>, %arg12: memref<640xf32, #tpu.memory_space<vmem>>, %arg13: memref<640xf32, #tpu.memory_space<vmem>>, %arg14: memref<640xf32, #tpu.memory_space<vmem>>, %arg15: memref<16xf32, #tpu.memory_space<vmem>>, %arg16: memref<8x16xf32, #tpu.memory_space<vmem>>, %arg17: memref<200x16xf32, #tpu.memory_space<vmem>>) attributes {dimension_semantics = [#tpu.dimension_semantics<core_parallel>, #tpu.dimension_semantics<subcore_parallel>], iteration_bounds = array<i64: 2, 16>, scalar_prefetch = 0 : i64, scratch_operands = 9 : i64, tpu.core_type = #tpu.core_type<sc_vector_subcore>, window_params = [{transform_indices = #map}, {transform_indices = #map}, {transform_indices = #map}, {transform_indices = #map}, {transform_indices = #map}, {transform_indices = #map1}, {transform_indices = #map1}]} {
    %mul3A = arith.constant 2 : i32
    %mul3A_0 = arith.muli %arg0, %mul3A : i32
    %jit3A = arith.constant 8 : i32
    %div3A = arith.divsi %arg1, %jit3A : i32
    %sign3A = arith.constant 0 : i32
    %sign3A_1 = arith.cmpi sgt, %arg1, %sign3A : i32
    %sign3A_2 = arith.extui %sign3A_1 : i1 to i32
    %sign3A_3 = arith.constant 0 : i32
    %sign3A_4 = arith.cmpi slt, %arg1, %sign3A_3 : i32
    %sign3A_5 = arith.extui %sign3A_4 : i1 to i32
    %sign3A_6 = arith.subi %sign3A_2, %sign3A_5 : i32
    %sign3A_7 = arith.constant 0 : i32
    %sign3A_8 = arith.cmpi sgt, %jit3A, %sign3A_7 : i32
    %sign3A_9 = arith.extui %sign3A_8 : i1 to i32
    %sign3A_10 = arith.constant 0 : i32
    %sign3A_11 = arith.cmpi slt, %jit3A, %sign3A_10 : i32
    %sign3A_12 = arith.extui %sign3A_11 : i1 to i32
    %sign3A_13 = arith.subi %sign3A_9, %sign3A_12 : i32
    %ne3A = arith.cmpi ne, %sign3A_6, %sign3A_13 : i32
    %rem3A = arith.remsi %arg1, %jit3A : i32
    %ne3A_14 = arith.constant 0 : i32
    %ne3A_15 = arith.cmpi ne, %rem3A, %ne3A_14 : i32
    %and3A = arith.andi %ne3A, %ne3A_15 : i1
    %sub3A = arith.constant 1 : i32
    %sub3A_16 = arith.subi %div3A, %sub3A : i32
    %select_n3A = arith.select %and3A, %sub3A_16, %div3A : i32
    %add3A = arith.addi %mul3A_0, %select_n3A : i32
    %jit3A_17 = arith.constant 8 : i32
    %eq3A = arith.constant 0 : i32
    %eq3A_18 = arith.cmpi eq, %jit3A_17, %eq3A : i32
    %jit3A_19 = arith.constant 1 : i32
    %select_n3A_20 = arith.select %eq3A_18, %jit3A_19, %jit3A_17 : i32
    %rem3A_21 = arith.remsi %arg1, %select_n3A_20 : i32
    %ne3A_22 = arith.constant 0 : i32
    %ne3A_23 = arith.cmpi ne, %rem3A_21, %ne3A_22 : i32
    %lt3A = arith.constant 0 : i32
    %lt3A_24 = arith.cmpi slt, %rem3A_21, %lt3A : i32
    %lt3A_25 = arith.constant 0 : i32
    %lt3A_26 = arith.cmpi slt, %select_n3A_20, %lt3A_25 : i32
    %ne3A_27 = arith.xori %lt3A_24, %lt3A_26 : i1
    %and3A_28 = arith.andi %ne3A_27, %ne3A_23 : i1
    %add3A_29 = arith.addi %rem3A_21, %select_n3A_20 : i32
    %select_n3A_30 = arith.select %and3A_28, %add3A_29, %rem3A_21 : i32
    %mul3A_31 = arith.constant 640 : i32
    %mul3A_32 = arith.muli %select_n3A_30, %mul3A_31 : i32
    "tpu.region"() ({
      %run_scoped3A = tpu.sem_alloc : memref<!tpu.dma_semaphore, #tpu.memory_space<semaphore_mem>>
      %dma_start3A = tpu.memref_slice %arg2[%add3A, %mul3A_32] : memref<4x5120xf32, #tpu.memory_space<hbm>> -> memref<1x640xf32, #tpu.memory_space<hbm>>
      %dma_start3A_106 = tpu.memref_squeeze %dma_start3A : memref<1x640xf32, #tpu.memory_space<hbm>> -> memref<640xf32, #tpu.memory_space<hbm>>
      %dma_start3A_107 = tpu.memref_slice %arg2[%add3A, %mul3A_32] : memref<4x5120xf32, #tpu.memory_space<hbm>> -> memref<1x640xf32, #tpu.memory_space<hbm>>
      %dma_start3A_108 = tpu.memref_squeeze %dma_start3A_107 : memref<1x640xf32, #tpu.memory_space<hbm>> -> memref<640xf32, #tpu.memory_space<hbm>>
      tpu.enqueue_dma source(%dma_start3A_108 : memref<640xf32, #tpu.memory_space<hbm>>) target(%arg9 : memref<640xf32, #tpu.memory_space<vmem>>) target_semaphore(%run_scoped3A : memref<!tpu.dma_semaphore, #tpu.memory_space<semaphore_mem>>)
      %dma_wait3A = tpu.memref_slice %arg2[%add3A, %mul3A_32] : memref<4x5120xf32, #tpu.memory_space<hbm>> -> memref<1x640xf32, #tpu.memory_space<hbm>>
      %dma_wait3A_109 = tpu.memref_squeeze %dma_wait3A : memref<1x640xf32, #tpu.memory_space<hbm>> -> memref<640xf32, #tpu.memory_space<hbm>>
      %dma_wait3A_110 = tpu.memref_slice %arg2[%add3A, %mul3A_32] : memref<4x5120xf32, #tpu.memory_space<hbm>> -> memref<1x640xf32, #tpu.memory_space<hbm>>
      %dma_wait3A_111 = tpu.memref_squeeze %dma_wait3A_110 : memref<1x640xf32, #tpu.memory_space<hbm>> -> memref<640xf32, #tpu.memory_space<hbm>>
      tpu.wait_dma2 semaphore(%run_scoped3A : memref<!tpu.dma_semaphore, #tpu.memory_space<semaphore_mem>>) src(%dma_wait3A_111 : memref<640xf32, #tpu.memory_space<hbm>>) dst(%arg9 : memref<640xf32, #tpu.memory_space<vmem>>)
      tpu.yield
    }) : () -> ()
    "tpu.region"() ({
      %run_scoped3A = tpu.sem_alloc : memref<!tpu.dma_semaphore, #tpu.memory_space<semaphore_mem>>
      %dma_start3A = tpu.memref_slice %arg3[%add3A, %mul3A_32] : memref<4x5120xf32, #tpu.memory_space<hbm>> -> memref<1x640xf32, #tpu.memory_space<hbm>>
      %dma_start3A_106 = tpu.memref_squeeze %dma_start3A : memref<1x640xf32, #tpu.memory_space<hbm>> -> memref<640xf32, #tpu.memory_space<hbm>>
      %dma_start3A_107 = tpu.memref_slice %arg3[%add3A, %mul3A_32] : memref<4x5120xf32, #tpu.memory_space<hbm>> -> memref<1x640xf32, #tpu.memory_space<hbm>>
      %dma_start3A_108 = tpu.memref_squeeze %dma_start3A_107 : memref<1x640xf32, #tpu.memory_space<hbm>> -> memref<640xf32, #tpu.memory_space<hbm>>
      tpu.enqueue_dma source(%dma_start3A_108 : memref<640xf32, #tpu.memory_space<hbm>>) target(%arg10 : memref<640xf32, #tpu.memory_space<vmem>>) target_semaphore(%run_scoped3A : memref<!tpu.dma_semaphore, #tpu.memory_space<semaphore_mem>>)
      %dma_wait3A = tpu.memref_slice %arg3[%add3A, %mul3A_32] : memref<4x5120xf32, #tpu.memory_space<hbm>> -> memref<1x640xf32, #tpu.memory_space<hbm>>
      %dma_wait3A_109 = tpu.memref_squeeze %dma_wait3A : memref<1x640xf32, #tpu.memory_space<hbm>> -> memref<640xf32, #tpu.memory_space<hbm>>
      %dma_wait3A_110 = tpu.memref_slice %arg3[%add3A, %mul3A_32] : memref<4x5120xf32, #tpu.memory_space<hbm>> -> memref<1x640xf32, #tpu.memory_space<hbm>>
      %dma_wait3A_111 = tpu.memref_squeeze %dma_wait3A_110 : memref<1x640xf32, #tpu.memory_space<hbm>> -> memref<640xf32, #tpu.memory_space<hbm>>
      tpu.wait_dma2 semaphore(%run_scoped3A : memref<!tpu.dma_semaphore, #tpu.memory_space<semaphore_mem>>) src(%dma_wait3A_111 : memref<640xf32, #tpu.memory_space<hbm>>) dst(%arg10 : memref<640xf32, #tpu.memory_space<vmem>>)
      tpu.yield
    }) : () -> ()
    "tpu.region"() ({
      %run_scoped3A = tpu.sem_alloc : memref<!tpu.dma_semaphore, #tpu.memory_space<semaphore_mem>>
      %dma_start3A = tpu.memref_slice %arg4[%add3A, %mul3A_32] : memref<4x5120xf32, #tpu.memory_space<hbm>> -> memref<1x640xf32, #tpu.memory_space<hbm>>
      %dma_start3A_106 = tpu.memref_squeeze %dma_start3A : memref<1x640xf32, #tpu.memory_space<hbm>> -> memref<640xf32, #tpu.memory_space<hbm>>
      %dma_start3A_107 = tpu.memref_slice %arg4[%add3A, %mul3A_32] : memref<4x5120xf32, #tpu.memory_space<hbm>> -> memref<1x640xf32, #tpu.memory_space<hbm>>
      %dma_start3A_108 = tpu.memref_squeeze %dma_start3A_107 : memref<1x640xf32, #tpu.memory_space<hbm>> -> memref<640xf32, #tpu.memory_space<hbm>>
      tpu.enqueue_dma source(%dma_start3A_108 : memref<640xf32, #tpu.memory_space<hbm>>) target(%arg11 : memref<640xf32, #tpu.memory_space<vmem>>) target_semaphore(%run_scoped3A : memref<!tpu.dma_semaphore, #tpu.memory_space<semaphore_mem>>)
      %dma_wait3A = tpu.memref_slice %arg4[%add3A, %mul3A_32] : memref<4x5120xf32, #tpu.memory_space<hbm>> -> memref<1x640xf32, #tpu.memory_space<hbm>>
      %dma_wait3A_109 = tpu.memref_squeeze %dma_wait3A : memref<1x640xf32, #tpu.memory_space<hbm>> -> memref<640xf32, #tpu.memory_space<hbm>>
      %dma_wait3A_110 = tpu.memref_slice %arg4[%add3A, %mul3A_32] : memref<4x5120xf32, #tpu.memory_space<hbm>> -> memref<1x640xf32, #tpu.memory_space<hbm>>
      %dma_wait3A_111 = tpu.memref_squeeze %dma_wait3A_110 : memref<1x640xf32, #tpu.memory_space<hbm>> -> memref<640xf32, #tpu.memory_space<hbm>>
      tpu.wait_dma2 semaphore(%run_scoped3A : memref<!tpu.dma_semaphore, #tpu.memory_space<semaphore_mem>>) src(%dma_wait3A_111 : memref<640xf32, #tpu.memory_space<hbm>>) dst(%arg11 : memref<640xf32, #tpu.memory_space<vmem>>)
      tpu.yield
    }) : () -> ()
    "tpu.region"() ({
      %run_scoped3A = tpu.sem_alloc : memref<!tpu.dma_semaphore, #tpu.memory_space<semaphore_mem>>
      %dma_start3A = tpu.memref_slice %arg5[%add3A, %mul3A_32] : memref<4x5120xf32, #tpu.memory_space<hbm>> -> memref<1x640xf32, #tpu.memory_space<hbm>>
      %dma_start3A_106 = tpu.memref_squeeze %dma_start3A : memref<1x640xf32, #tpu.memory_space<hbm>> -> memref<640xf32, #tpu.memory_space<hbm>>
      %dma_start3A_107 = tpu.memref_slice %arg5[%add3A, %mul3A_32] : memref<4x5120xf32, #tpu.memory_space<hbm>> -> memref<1x640xf32, #tpu.memory_space<hbm>>
      %dma_start3A_108 = tpu.memref_squeeze %dma_start3A_107 : memref<1x640xf32, #tpu.memory_space<hbm>> -> memref<640xf32, #tpu.memory_space<hbm>>
      tpu.enqueue_dma source(%dma_start3A_108 : memref<640xf32, #tpu.memory_space<hbm>>) target(%arg12 : memref<640xf32, #tpu.memory_space<vmem>>) target_semaphore(%run_scoped3A : memref<!tpu.dma_semaphore, #tpu.memory_space<semaphore_mem>>)
      %dma_wait3A = tpu.memref_slice %arg5[%add3A, %mul3A_32] : memref<4x5120xf32, #tpu.memory_space<hbm>> -> memref<1x640xf32, #tpu.memory_space<hbm>>
      %dma_wait3A_109 = tpu.memref_squeeze %dma_wait3A : memref<1x640xf32, #tpu.memory_space<hbm>> -> memref<640xf32, #tpu.memory_space<hbm>>
      %dma_wait3A_110 = tpu.memref_slice %arg5[%add3A, %mul3A_32] : memref<4x5120xf32, #tpu.memory_space<hbm>> -> memref<1x640xf32, #tpu.memory_space<hbm>>
      %dma_wait3A_111 = tpu.memref_squeeze %dma_wait3A_110 : memref<1x640xf32, #tpu.memory_space<hbm>> -> memref<640xf32, #tpu.memory_space<hbm>>
      tpu.wait_dma2 semaphore(%run_scoped3A : memref<!tpu.dma_semaphore, #tpu.memory_space<semaphore_mem>>) src(%dma_wait3A_111 : memref<640xf32, #tpu.memory_space<hbm>>) dst(%arg12 : memref<640xf32, #tpu.memory_space<vmem>>)
      tpu.yield
    }) : () -> ()
    "tpu.region"() ({
      %run_scoped3A = tpu.sem_alloc : memref<!tpu.dma_semaphore, #tpu.memory_space<semaphore_mem>>
      %dma_start3A = tpu.memref_slice %arg6[%add3A, %mul3A_32] : memref<4x5120xf32, #tpu.memory_space<hbm>> -> memref<1x640xf32, #tpu.memory_space<hbm>>
      %dma_start3A_106 = tpu.memref_squeeze %dma_start3A : memref<1x640xf32, #tpu.memory_space<hbm>> -> memref<640xf32, #tpu.memory_space<hbm>>
      %dma_start3A_107 = tpu.memref_slice %arg6[%add3A, %mul3A_32] : memref<4x5120xf32, #tpu.memory_space<hbm>> -> memref<1x640xf32, #tpu.memory_space<hbm>>
      %dma_start3A_108 = tpu.memref_squeeze %dma_start3A_107 : memref<1x640xf32, #tpu.memory_space<hbm>> -> memref<640xf32, #tpu.memory_space<hbm>>
      tpu.enqueue_dma source(%dma_start3A_108 : memref<640xf32, #tpu.memory_space<hbm>>) target(%arg13 : memref<640xf32, #tpu.memory_space<vmem>>) target_semaphore(%run_scoped3A : memref<!tpu.dma_semaphore, #tpu.memory_space<semaphore_mem>>)
      %dma_wait3A = tpu.memref_slice %arg6[%add3A, %mul3A_32] : memref<4x5120xf32, #tpu.memory_space<hbm>> -> memref<1x640xf32, #tpu.memory_space<hbm>>
      %dma_wait3A_109 = tpu.memref_squeeze %dma_wait3A : memref<1x640xf32, #tpu.memory_space<hbm>> -> memref<640xf32, #tpu.memory_space<hbm>>
      %dma_wait3A_110 = tpu.memref_slice %arg6[%add3A, %mul3A_32] : memref<4x5120xf32, #tpu.memory_space<hbm>> -> memref<1x640xf32, #tpu.memory_space<hbm>>
      %dma_wait3A_111 = tpu.memref_squeeze %dma_wait3A_110 : memref<1x640xf32, #tpu.memory_space<hbm>> -> memref<640xf32, #tpu.memory_space<hbm>>
      tpu.wait_dma2 semaphore(%run_scoped3A : memref<!tpu.dma_semaphore, #tpu.memory_space<semaphore_mem>>) src(%dma_wait3A_111 : memref<640xf32, #tpu.memory_space<hbm>>) dst(%arg13 : memref<640xf32, #tpu.memory_space<vmem>>)
      tpu.yield
    }) : () -> ()
    %iota3A = tpu.iota {dimensions = array<i32: 0>} : vector<16xi32>
    %eq3A_33 = arith.constant 0 : i32
    %eq3A_34 = vector.broadcast %eq3A_33 : i32 to vector<16xi32>
    %eq3A_35 = arith.cmpi eq, %iota3A, %eq3A_34 : vector<16xi32>
    %jit3A_36 = arith.constant 1.000000e+00 : f32
    %jit3A_37 = arith.constant 0.000000e+00 : f32
    %broadcast_in_dim3A = vector.broadcast %jit3A_36 : f32 to vector<16xf32>
    %broadcast_in_dim3A_38 = vector.broadcast %jit3A_37 : f32 to vector<16xf32>
    %select_n3A_39 = arith.select %eq3A_35, %broadcast_in_dim3A, %broadcast_in_dim3A_38 : vector<16xi1>, vector<16xf32>
    %eq3A_40 = arith.constant 1 : i32
    %eq3A_41 = vector.broadcast %eq3A_40 : i32 to vector<16xi32>
    %eq3A_42 = arith.cmpi eq, %iota3A, %eq3A_41 : vector<16xi32>
    %jit3A_43 = arith.constant 1.000000e+00 : f32
    %jit3A_44 = arith.constant 0.000000e+00 : f32
    %broadcast_in_dim3A_45 = vector.broadcast %jit3A_43 : f32 to vector<16xf32>
    %broadcast_in_dim3A_46 = vector.broadcast %jit3A_44 : f32 to vector<16xf32>
    %select_n3A_47 = arith.select %eq3A_42, %broadcast_in_dim3A_45, %broadcast_in_dim3A_46 : vector<16xi1>, vector<16xf32>
    %eq3A_48 = arith.constant 2 : i32
    %eq3A_49 = vector.broadcast %eq3A_48 : i32 to vector<16xi32>
    %eq3A_50 = arith.cmpi eq, %iota3A, %eq3A_49 : vector<16xi32>
    %jit3A_51 = arith.constant 1.000000e+00 : f32
    %jit3A_52 = arith.constant 0.000000e+00 : f32
    %broadcast_in_dim3A_53 = vector.broadcast %jit3A_51 : f32 to vector<16xf32>
    %broadcast_in_dim3A_54 = vector.broadcast %jit3A_52 : f32 to vector<16xf32>
    %select_n3A_55 = arith.select %eq3A_50, %broadcast_in_dim3A_53, %broadcast_in_dim3A_54 : vector<16xi1>, vector<16xf32>
    %eq3A_56 = arith.constant 3 : i32
    %eq3A_57 = vector.broadcast %eq3A_56 : i32 to vector<16xi32>
    %eq3A_58 = arith.cmpi eq, %iota3A, %eq3A_57 : vector<16xi32>
    %jit3A_59 = arith.constant 1.000000e+00 : f32
    %jit3A_60 = arith.constant 0.000000e+00 : f32
    %broadcast_in_dim3A_61 = vector.broadcast %jit3A_59 : f32 to vector<16xf32>
    %broadcast_in_dim3A_62 = vector.broadcast %jit3A_60 : f32 to vector<16xf32>
    %select_n3A_63 = arith.select %eq3A_58, %broadcast_in_dim3A_61, %broadcast_in_dim3A_62 : vector<16xi1>, vector<16xf32>
    %eq3A_64 = arith.constant 4 : i32
    %eq3A_65 = vector.broadcast %eq3A_64 : i32 to vector<16xi32>
    %eq3A_66 = arith.cmpi eq, %iota3A, %eq3A_65 : vector<16xi32>
    %jit3A_67 = arith.constant 1.000000e+00 : f32
    %jit3A_68 = arith.constant 0.000000e+00 : f32
    %broadcast_in_dim3A_69 = vector.broadcast %jit3A_67 : f32 to vector<16xf32>
    %broadcast_in_dim3A_70 = vector.broadcast %jit3A_68 : f32 to vector<16xf32>
    %select_n3A_71 = arith.select %eq3A_66, %broadcast_in_dim3A_69, %broadcast_in_dim3A_70 : vector<16xi1>, vector<16xf32>
    %eq3A_72 = arith.constant 5 : i32
    %eq3A_73 = vector.broadcast %eq3A_72 : i32 to vector<16xi32>
    %eq3A_74 = arith.cmpi eq, %iota3A, %eq3A_73 : vector<16xi32>
    %jit3A_75 = arith.constant 1.000000e+00 : f32
    %jit3A_76 = arith.constant 0.000000e+00 : f32
    %broadcast_in_dim3A_77 = vector.broadcast %jit3A_75 : f32 to vector<16xf32>
    %broadcast_in_dim3A_78 = vector.broadcast %jit3A_76 : f32 to vector<16xf32>
    %select_n3A_79 = arith.select %eq3A_74, %broadcast_in_dim3A_77, %broadcast_in_dim3A_78 : vector<16xi1>, vector<16xf32>
    %eq3A_80 = arith.constant 6 : i32
    %eq3A_81 = vector.broadcast %eq3A_80 : i32 to vector<16xi32>
    %eq3A_82 = arith.cmpi eq, %iota3A, %eq3A_81 : vector<16xi32>
    %jit3A_83 = arith.constant 1.000000e+00 : f32
    %jit3A_84 = arith.constant 0.000000e+00 : f32
    %broadcast_in_dim3A_85 = vector.broadcast %jit3A_83 : f32 to vector<16xf32>
    %broadcast_in_dim3A_86 = vector.broadcast %jit3A_84 : f32 to vector<16xf32>
    %select_n3A_87 = arith.select %eq3A_82, %broadcast_in_dim3A_85, %broadcast_in_dim3A_86 : vector<16xi1>, vector<16xf32>
    %broadcast_in_dim3A_88 = arith.constant -1.000000e+30 : f32
    %broadcast_in_dim3A_89 = vector.broadcast %broadcast_in_dim3A_88 : f32 to vector<16xf32>
    %broadcast_in_dim3A_90 = arith.constant 1.07374182E+9 : f32
    %broadcast_in_dim3A_91 = vector.broadcast %broadcast_in_dim3A_90 : f32 to vector<16xf32>
    %scan3A = arith.constant 0 : i32
    %scan3A_92 = arith.constant 40 : i32
    %scan3A_93 = arith.addi %scan3A, %scan3A_92 : i32
    %scan3A_94 = arith.constant 1 : i32
    %scan3A_95:2 = scf.for %scan3A_106 = %scan3A to %scan3A_93 step %scan3A_94 iter_args(%scan3A_107 = %broadcast_in_dim3A_89, %scan3A_108 = %broadcast_in_dim3A_91) -> (vector<16xf32>, vector<16xf32>)  : i32 {
      %mul3A_109 = arith.constant 16 : i32
      %mul3A_110 = arith.muli %scan3A_106, %mul3A_109 : i32
      %add3A_111 = vector.broadcast %mul3A_110 : i32 to vector<16xi32>
      %add3A_112 = arith.addi %iota3A, %add3A_111 : vector<16xi32>
      %gather3A = tpu.vector_load_idx %arg10[%add3A_112] : memref<640xf32, #tpu.memory_space<vmem>>[vector<16xi32>], vector<16xf32>,
      %gather3A_113 = tpu.vector_load_idx %arg11[%add3A_112] : memref<640xf32, #tpu.memory_space<vmem>>[vector<16xi32>], vector<16xf32>,
      %gather3A_114 = tpu.vector_load_idx %arg12[%add3A_112] : memref<640xf32, #tpu.memory_space<vmem>>[vector<16xi32>], vector<16xf32>,
      %gather3A_115 = tpu.vector_load_idx %arg13[%add3A_112] : memref<640xf32, #tpu.memory_space<vmem>>[vector<16xi32>], vector<16xf32>,
      %sub3A_116 = arith.subf %gather3A_114, %gather3A : vector<16xf32>
      %sub3A_117 = arith.subf %gather3A_115, %gather3A_113 : vector<16xf32>
      %mul3A_118 = arith.mulf %sub3A_116, %sub3A_117 : vector<16xf32>
      tpu.vector_store_idx %arg14[%add3A_112], %mul3A_118 : memref<640xf32, #tpu.memory_space<vmem>>[vector<16xi32>], vector<16xf32>,
      %gather3A_119 = tpu.vector_load_idx %arg9[%add3A_112] : memref<640xf32, #tpu.memory_space<vmem>>[vector<16xi32>], vector<16xf32>,
      %gt3A = arith.constant 0.00999999977 : f32
      %gt3A_120 = vector.broadcast %gt3A : f32 to vector<16xf32>
      %gt3A_121 = arith.cmpf ogt, %gather3A_119, %gt3A_120 : vector<16xf32>
      %jit3A_122 = arith.constant -1.000000e+30 : f32
      %broadcast_in_dim3A_123 = vector.broadcast %jit3A_122 : f32 to vector<16xf32>
      %select_n3A_124 = arith.select %gt3A_121, %gather3A_119, %broadcast_in_dim3A_123 : vector<16xi1>, vector<16xf32>
      tpu.vector_store_idx %arg9[%add3A_112], %select_n3A_124 : memref<640xf32, #tpu.memory_space<vmem>>[vector<16xi32>], vector<16xf32>,
      %gt3A_125 = arith.cmpf ogt, %select_n3A_124, %scan3A_107 : vector<16xf32>
      %select_n3A_126 = arith.select %gt3A_125, %select_n3A_124, %scan3A_107 : vector<16xi1>, vector<16xf32>
      %add3A_127 = vector.broadcast %mul3A_32 : i32 to vector<16xi32>
      %add3A_128 = arith.addi %add3A_112, %add3A_127 : vector<16xi32>
      %convert_element_type3A_129 = arith.sitofp %add3A_128 : vector<16xi32> to vector<16xf32>
      %select_n3A_130 = arith.select %gt3A_125, %convert_element_type3A_129, %scan3A_108 : vector<16xi1>, vector<16xf32>
      scf.yield %select_n3A_126, %select_n3A_130 : vector<16xf32>, vector<16xf32>
    }
    %scan3A_96 = arith.constant 40 : i32
    %scan3A_97 = arith.constant 0 : i32
    %scan3A_98 = arith.constant 200 : i32
    %scan3A_99 = arith.addi %scan3A_97, %scan3A_98 : i32
    %scan3A_100 = arith.constant 1 : i32
    %scan3A_101:2 = scf.for %scan3A_106 = %scan3A_97 to %scan3A_99 step %scan3A_100 iter_args(%scan3A_107 = %scan3A_95#0, %scan3A_108 = %scan3A_95#1) -> (vector<16xf32>, vector<16xf32>)  : i32 {
      %reduce_max3A = arith.constant true
      %reduce_max3A_109 = vector.broadcast %reduce_max3A : i1 to vector<16xi1>
      %reduce_max3A_110 = tpu.scan <max>, %scan3A_107 masked %reduce_max3A_109 : vector<16xf32>, vector<16xi1> -> vector<16xf32>
      %reduce_max3A_111 = vector.extract %reduce_max3A_110[15] : f32 from vector<16xf32>
      %eq3A_112 = vector.broadcast %reduce_max3A_111 : f32 to vector<16xf32>
      %eq3A_113 = arith.cmpf oeq, %scan3A_107, %eq3A_112 : vector<16xf32>
      %jit3A_114 = arith.constant 1.07374182E+9 : f32
      %broadcast_in_dim3A_115 = vector.broadcast %jit3A_114 : f32 to vector<16xf32>
      %select_n3A_116 = arith.select %eq3A_113, %scan3A_108, %broadcast_in_dim3A_115 : vector<16xi1>, vector<16xf32>
      %reduce_min3A = arith.constant true
      %reduce_min3A_117 = vector.broadcast %reduce_min3A : i1 to vector<16xi1>
      %reduce_min3A_118 = tpu.scan <min>, %select_n3A_116 masked %reduce_min3A_117 : vector<16xf32>, vector<16xi1> -> vector<16xf32>
      %reduce_min3A_119 = vector.extract %reduce_min3A_118[15] : f32 from vector<16xf32>
      %gt3A = arith.constant 0.00999999977 : f32
      %gt3A_120 = arith.cmpf ogt, %reduce_max3A_111, %gt3A : f32
      %convert_element_type3A_121 = arith.fptosi %reduce_min3A_119 : f32 to i32
      %sub3A_122 = arith.subi %convert_element_type3A_121, %mul3A_32 : i32
      %jit3A_123 = arith.constant 0 : i32
      %select_n3A_124 = arith.select %gt3A_120, %sub3A_122, %jit3A_123 : i32
      %broadcast_in_dim3A_125 = vector.broadcast %select_n3A_124 : i32 to vector<16xi32>
      %gather3A = tpu.vector_load_idx %arg10[%broadcast_in_dim3A_125] : memref<640xf32, #tpu.memory_space<vmem>>[vector<16xi32>], vector<16xf32>,
      %gather3A_126 = tpu.vector_load_idx %arg11[%broadcast_in_dim3A_125] : memref<640xf32, #tpu.memory_space<vmem>>[vector<16xi32>], vector<16xf32>,
      %gather3A_127 = tpu.vector_load_idx %arg12[%broadcast_in_dim3A_125] : memref<640xf32, #tpu.memory_space<vmem>>[vector<16xi32>], vector<16xf32>,
      %gather3A_128 = tpu.vector_load_idx %arg13[%broadcast_in_dim3A_125] : memref<640xf32, #tpu.memory_space<vmem>>[vector<16xi32>], vector<16xf32>,
      %gather3A_129 = tpu.vector_load_idx %arg14[%broadcast_in_dim3A_125] : memref<640xf32, #tpu.memory_space<vmem>>[vector<16xi32>], vector<16xf32>,
      %broadcast_in_dim3A_130 = vector.broadcast %reduce_max3A_111 : f32 to vector<16xf32>
      %mul3A_131 = arith.mulf %broadcast_in_dim3A_130, %select_n3A_39 : vector<16xf32>
      %mul3A_132 = arith.mulf %gather3A, %select_n3A_47 : vector<16xf32>
      %add3A_133 = arith.addf %mul3A_131, %mul3A_132 : vector<16xf32>
      %mul3A_134 = arith.mulf %gather3A_126, %select_n3A_55 : vector<16xf32>
      %add3A_135 = arith.addf %add3A_133, %mul3A_134 : vector<16xf32>
      %mul3A_136 = arith.mulf %gather3A_127, %select_n3A_63 : vector<16xf32>
      %add3A_137 = arith.addf %add3A_135, %mul3A_136 : vector<16xf32>
      %mul3A_138 = arith.mulf %gather3A_128, %select_n3A_71 : vector<16xf32>
      %add3A_139 = arith.addf %add3A_137, %mul3A_138 : vector<16xf32>
      %mul3A_140 = arith.mulf %gather3A_129, %select_n3A_79 : vector<16xf32>
      %add3A_141 = arith.addf %add3A_139, %mul3A_140 : vector<16xf32>
      %broadcast_in_dim3A_142 = vector.broadcast %reduce_min3A_119 : f32 to vector<16xf32>
      %mul3A_143 = arith.mulf %broadcast_in_dim3A_142, %select_n3A_87 : vector<16xf32>
      %add3A_144 = arith.addf %add3A_141, %mul3A_143 : vector<16xf32>
      %swap3A = arith.constant 0 : index
      %swap3A_145 = tpu.vector_load %arg15[%swap3A] {strides = array<i32>} : memref<16xf32, #tpu.memory_space<vmem>>, vector<16xf32>,
      tpu.vector_store %arg15[%swap3A], %add3A_144 {strides = array<i32>} : memref<16xf32, #tpu.memory_space<vmem>>, vector<16xf32>,
      %jit3A_146 = arith.constant 2 : i32
      %eq3A_147 = arith.constant 0 : i32
      %eq3A_148 = arith.cmpi eq, %jit3A_146, %eq3A_147 : i32
      %jit3A_149 = arith.constant 1 : i32
      %select_n3A_150 = arith.select %eq3A_148, %jit3A_149, %jit3A_146 : i32
      %rem3A_151 = arith.remsi %scan3A_106, %select_n3A_150 : i32
      %ne3A_152 = arith.constant 0 : i32
      %ne3A_153 = arith.cmpi ne, %rem3A_151, %ne3A_152 : i32
      %lt3A_154 = arith.constant 0 : i32
      %lt3A_155 = arith.cmpi slt, %rem3A_151, %lt3A_154 : i32
      %lt3A_156 = arith.constant 0 : i32
      %lt3A_157 = arith.cmpi slt, %select_n3A_150, %lt3A_156 : i32
      %ne3A_158 = arith.xori %lt3A_155, %lt3A_157 : i1
      %and3A_159 = arith.andi %ne3A_158, %ne3A_153 : i1
      %add3A_160 = arith.addi %rem3A_151, %select_n3A_150 : i32
      %select_n3A_161 = arith.select %and3A_159, %add3A_160, %rem3A_151 : i32
      %mul3A_162 = arith.constant 8 : i32
      %mul3A_163 = arith.muli %add3A, %mul3A_162 : i32
      %add3A_164 = arith.addi %mul3A_163, %select_n3A_30 : i32
      "tpu.region"() ({
        %run_scoped3A = tpu.sem_alloc : memref<!tpu.dma_semaphore, #tpu.memory_space<semaphore_mem>>
        %dma_start3A = arith.constant 0 : i32
        %dma_start3A_249 = tpu.memref_slice %arg8[%select_n3A_161, %add3A_164, %dma_start3A] : memref<2x32x16xf32, #tpu.memory_space<hbm>> -> memref<1x1x16xf32, #tpu.memory_space<hbm>>
        %dma_start3A_250 = tpu.memref_squeeze %dma_start3A_249 : memref<1x1x16xf32, #tpu.memory_space<hbm>> -> memref<16xf32, #tpu.memory_space<hbm>>
        %dma_start3A_251 = arith.constant 0 : i32
        %dma_start3A_252 = tpu.memref_slice %arg8[%select_n3A_161, %add3A_164, %dma_start3A_251] : memref<2x32x16xf32, #tpu.memory_space<hbm>> -> memref<1x1x16xf32, #tpu.memory_space<hbm>>
        %dma_start3A_253 = tpu.memref_squeeze %dma_start3A_252 : memref<1x1x16xf32, #tpu.memory_space<hbm>> -> memref<16xf32, #tpu.memory_space<hbm>>
        tpu.enqueue_dma source(%arg15 : memref<16xf32, #tpu.memory_space<vmem>>) target(%dma_start3A_253 : memref<16xf32, #tpu.memory_space<hbm>>) target_semaphore(%run_scoped3A : memref<!tpu.dma_semaphore, #tpu.memory_space<semaphore_mem>>)
        %dma_wait3A = arith.constant 0 : i32
        %dma_wait3A_254 = tpu.memref_slice %arg8[%select_n3A_161, %add3A_164, %dma_wait3A] : memref<2x32x16xf32, #tpu.memory_space<hbm>> -> memref<1x1x16xf32, #tpu.memory_space<hbm>>
        %dma_wait3A_255 = tpu.memref_squeeze %dma_wait3A_254 : memref<1x1x16xf32, #tpu.memory_space<hbm>> -> memref<16xf32, #tpu.memory_space<hbm>>
        %dma_wait3A_256 = arith.constant 0 : i32
        %dma_wait3A_257 = tpu.memref_slice %arg8[%select_n3A_161, %add3A_164, %dma_wait3A_256] : memref<2x32x16xf32, #tpu.memory_space<hbm>> -> memref<1x1x16xf32, #tpu.memory_space<hbm>>
        %dma_wait3A_258 = tpu.memref_squeeze %dma_wait3A_257 : memref<1x1x16xf32, #tpu.memory_space<hbm>> -> memref<16xf32, #tpu.memory_space<hbm>>
        tpu.wait_dma2 semaphore(%run_scoped3A : memref<!tpu.dma_semaphore, #tpu.memory_space<semaphore_mem>>) src(%arg15 : memref<16xf32, #tpu.memory_space<vmem>>) dst(%dma_wait3A_258 : memref<16xf32, #tpu.memory_space<hbm>>)
        tpu.yield
      }) : () -> ()
      %barrier3A = arith.constant 0 : index
      tpu.barrier barrier_id(%barrier3A)
      %mul3A_165 = arith.constant 8 : i32
      %mul3A_166 = arith.muli %add3A, %mul3A_165 : i32
      "tpu.region"() ({
        %run_scoped3A = tpu.sem_alloc : memref<!tpu.dma_semaphore, #tpu.memory_space<semaphore_mem>>
        %dma_start3A = arith.constant 0 : i32
        %dma_start3A_249 = tpu.memref_slice %arg8[%select_n3A_161, %mul3A_166, %dma_start3A] : memref<2x32x16xf32, #tpu.memory_space<hbm>> -> memref<1x8x16xf32, #tpu.memory_space<hbm>>
        %dma_start3A_250 = tpu.memref_squeeze %dma_start3A_249 : memref<1x8x16xf32, #tpu.memory_space<hbm>> -> memref<8x16xf32, #tpu.memory_space<hbm>>
        %dma_start3A_251 = arith.constant 0 : i32
        %dma_start3A_252 = tpu.memref_slice %arg8[%select_n3A_161, %mul3A_166, %dma_start3A_251] : memref<2x32x16xf32, #tpu.memory_space<hbm>> -> memref<1x8x16xf32, #tpu.memory_space<hbm>>
        %dma_start3A_253 = tpu.memref_squeeze %dma_start3A_252 : memref<1x8x16xf32, #tpu.memory_space<hbm>> -> memref<8x16xf32, #tpu.memory_space<hbm>>
        tpu.enqueue_dma source(%dma_start3A_253 : memref<8x16xf32, #tpu.memory_space<hbm>>) target(%arg16 : memref<8x16xf32, #tpu.memory_space<vmem>>) target_semaphore(%run_scoped3A : memref<!tpu.dma_semaphore, #tpu.memory_space<semaphore_mem>>)
        %dma_wait3A = arith.constant 0 : i32
        %dma_wait3A_254 = tpu.memref_slice %arg8[%select_n3A_161, %mul3A_166, %dma_wait3A] : memref<2x32x16xf32, #tpu.memory_space<hbm>> -> memref<1x8x16xf32, #tpu.memory_space<hbm>>
        %dma_wait3A_255 = tpu.memref_squeeze %dma_wait3A_254 : memref<1x8x16xf32, #tpu.memory_space<hbm>> -> memref<8x16xf32, #tpu.memory_space<hbm>>
        %dma_wait3A_256 = arith.constant 0 : i32
        %dma_wait3A_257 = tpu.memref_slice %arg8[%select_n3A_161, %mul3A_166, %dma_wait3A_256] : memref<2x32x16xf32, #tpu.memory_space<hbm>> -> memref<1x8x16xf32, #tpu.memory_space<hbm>>
        %dma_wait3A_258 = tpu.memref_squeeze %dma_wait3A_257 : memref<1x8x16xf32, #tpu.memory_space<hbm>> -> memref<8x16xf32, #tpu.memory_space<hbm>>
        tpu.wait_dma2 semaphore(%run_scoped3A : memref<!tpu.dma_semaphore, #tpu.memory_space<semaphore_mem>>) src(%dma_wait3A_258 : memref<8x16xf32, #tpu.memory_space<hbm>>) dst(%arg16 : memref<8x16xf32, #tpu.memory_space<vmem>>)
        tpu.yield
      }) : () -> ()
      %min3A = arith.constant 7 : i32
      %min3A_167 = vector.broadcast %min3A : i32 to vector<16xi32>
      %min3A_168 = arith.minsi %iota3A, %min3A_167 : vector<16xi32>
      %broadcast_in_dim3A_169 = arith.constant 0 : i32
      %broadcast_in_dim3A_170 = vector.broadcast %broadcast_in_dim3A_169 : i32 to vector<16xi32>
      %gather3A_171 = tpu.vector_load_idx %arg16[%min3A_168, %broadcast_in_dim3A_170] : memref<8x16xf32, #tpu.memory_space<vmem>>[vector<16xi32>, vector<16xi32>], vector<16xf32>,
      %broadcast_in_dim3A_172 = arith.constant 6 : i32
      %broadcast_in_dim3A_173 = vector.broadcast %broadcast_in_dim3A_172 : i32 to vector<16xi32>
      %gather3A_174 = tpu.vector_load_idx %arg16[%min3A_168, %broadcast_in_dim3A_173] : memref<8x16xf32, #tpu.memory_space<vmem>>[vector<16xi32>, vector<16xi32>], vector<16xf32>,
      %reduce_max3A_175 = arith.constant true
      %reduce_max3A_176 = vector.broadcast %reduce_max3A_175 : i1 to vector<16xi1>
      %reduce_max3A_177 = tpu.scan <max>, %gather3A_171 masked %reduce_max3A_176 : vector<16xf32>, vector<16xi1> -> vector<16xf32>
      %reduce_max3A_178 = vector.extract %reduce_max3A_177[15] : f32 from vector<16xf32>
      %gt3A_179 = arith.constant 0.00999999977 : f32
      %gt3A_180 = arith.cmpf ogt, %reduce_max3A_178, %gt3A_179 : f32
      %eq3A_181 = vector.broadcast %reduce_max3A_178 : f32 to vector<16xf32>
      %eq3A_182 = arith.cmpf oeq, %gather3A_171, %eq3A_181 : vector<16xf32>
      %jit3A_183 = arith.constant 1.07374182E+9 : f32
      %broadcast_in_dim3A_184 = vector.broadcast %jit3A_183 : f32 to vector<16xf32>
      %select_n3A_185 = arith.select %eq3A_182, %gather3A_174, %broadcast_in_dim3A_184 : vector<16xi1>, vector<16xf32>
      %reduce_min3A_186 = arith.constant true
      %reduce_min3A_187 = vector.broadcast %reduce_min3A_186 : i1 to vector<16xi1>
      %reduce_min3A_188 = tpu.scan <min>, %select_n3A_185 masked %reduce_min3A_187 : vector<16xf32>, vector<16xi1> -> vector<16xf32>
      %reduce_min3A_189 = vector.extract %reduce_min3A_188[15] : f32 from vector<16xf32>
      %convert_element_type3A_190 = arith.fptosi %reduce_min3A_189 : f32 to i32
      %jit3A_191 = arith.constant 640 : i32
      %div3A_192 = arith.divsi %convert_element_type3A_190, %jit3A_191 : i32
      %sign3A_193 = arith.constant 0 : i32
      %sign3A_194 = arith.cmpi sgt, %convert_element_type3A_190, %sign3A_193 : i32
      %sign3A_195 = arith.extui %sign3A_194 : i1 to i32
      %sign3A_196 = arith.constant 0 : i32
      %sign3A_197 = arith.cmpi slt, %convert_element_type3A_190, %sign3A_196 : i32
      %sign3A_198 = arith.extui %sign3A_197 : i1 to i32
      %sign3A_199 = arith.subi %sign3A_195, %sign3A_198 : i32
      %sign3A_200 = arith.constant 0 : i32
      %sign3A_201 = arith.cmpi sgt, %jit3A_191, %sign3A_200 : i32
      %sign3A_202 = arith.extui %sign3A_201 : i1 to i32
      %sign3A_203 = arith.constant 0 : i32
      %sign3A_204 = arith.cmpi slt, %jit3A_191, %sign3A_203 : i32
      %sign3A_205 = arith.extui %sign3A_204 : i1 to i32
      %sign3A_206 = arith.subi %sign3A_202, %sign3A_205 : i32
      %ne3A_207 = arith.cmpi ne, %sign3A_199, %sign3A_206 : i32
      %rem3A_208 = arith.remsi %convert_element_type3A_190, %jit3A_191 : i32
      %ne3A_209 = arith.constant 0 : i32
      %ne3A_210 = arith.cmpi ne, %rem3A_208, %ne3A_209 : i32
      %and3A_211 = arith.andi %ne3A_207, %ne3A_210 : i1
      %sub3A_212 = arith.constant 1 : i32
      %sub3A_213 = arith.subi %div3A_192, %sub3A_212 : i32
      %select_n3A_214 = arith.select %and3A_211, %sub3A_213, %div3A_192 : i32
      %jit3A_215 = arith.constant 0 : i32
      %select_n3A_216 = arith.select %gt3A_180, %select_n3A_214, %jit3A_215 : i32
      %broadcast_in_dim3A_217 = vector.broadcast %select_n3A_216 : i32 to vector<16xi32>
      %broadcast_in_dim3A_218 = arith.constant 1 : i32
      %broadcast_in_dim3A_219 = vector.broadcast %broadcast_in_dim3A_218 : i32 to vector<16xi32>
      %gather3A_220 = tpu.vector_load_idx %arg16[%broadcast_in_dim3A_217, %broadcast_in_dim3A_219] : memref<8x16xf32, #tpu.memory_space<vmem>>[vector<16xi32>, vector<16xi32>], vector<16xf32>,
      %broadcast_in_dim3A_221 = arith.constant 2 : i32
      %broadcast_in_dim3A_222 = vector.broadcast %broadcast_in_dim3A_221 : i32 to vector<16xi32>
      %gather3A_223 = tpu.vector_load_idx %arg16[%broadcast_in_dim3A_217, %broadcast_in_dim3A_222] : memref<8x16xf32, #tpu.memory_space<vmem>>[vector<16xi32>, vector<16xi32>], vector<16xf32>,
      %broadcast_in_dim3A_224 = arith.constant 3 : i32
      %broadcast_in_dim3A_225 = vector.broadcast %broadcast_in_dim3A_224 : i32 to vector<16xi32>
      %gather3A_226 = tpu.vector_load_idx %arg16[%broadcast_in_dim3A_217, %broadcast_in_dim3A_225] : memref<8x16xf32, #tpu.memory_space<vmem>>[vector<16xi32>, vector<16xi32>], vector<16xf32>,
      %broadcast_in_dim3A_227 = arith.constant 4 : i32
      %broadcast_in_dim3A_228 = vector.broadcast %broadcast_in_dim3A_227 : i32 to vector<16xi32>
      %gather3A_229 = tpu.vector_load_idx %arg16[%broadcast_in_dim3A_217, %broadcast_in_dim3A_228] : memref<8x16xf32, #tpu.memory_space<vmem>>[vector<16xi32>, vector<16xi32>], vector<16xf32>,
      %broadcast_in_dim3A_230 = arith.constant 5 : i32
      %broadcast_in_dim3A_231 = vector.broadcast %broadcast_in_dim3A_230 : i32 to vector<16xi32>
      %gather3A_232 = tpu.vector_load_idx %arg16[%broadcast_in_dim3A_217, %broadcast_in_dim3A_231] : memref<8x16xf32, #tpu.memory_space<vmem>>[vector<16xi32>, vector<16xi32>], vector<16xf32>,
      %eq3A_233 = arith.constant 0 : i32
      %eq3A_234 = arith.cmpi eq, %select_n3A_30, %eq3A_233 : i32
      %convert_element_type3A_235 = arith.extui %eq3A_234 : i1 to i32
      %cond3A_236 = arith.constant 0 : i32
      %cond3A_237 = arith.cmpi ne, %convert_element_type3A_235, %cond3A_236 : i32
      scf.if %cond3A_237 {
        %jit3A_249 = arith.constant 1.000000e+00 : f32
        %jit3A_250 = arith.constant 0.000000e+00 : f32
        %select_n3A_251 = arith.select %gt3A_180, %jit3A_249, %jit3A_250 : f32
        %broadcast_in_dim3A_252 = vector.broadcast %select_n3A_251 : f32 to vector<16xf32>
        %broadcast_in_dim3A_253 = vector.broadcast %reduce_max3A_178 : f32 to vector<16xf32>
        %mul3A_254 = arith.mulf %broadcast_in_dim3A_253, %select_n3A_39 : vector<16xf32>
        %mul3A_255 = arith.mulf %gather3A_220, %select_n3A_47 : vector<16xf32>
        %add3A_256 = arith.addf %mul3A_254, %mul3A_255 : vector<16xf32>
        %mul3A_257 = arith.mulf %gather3A_223, %select_n3A_55 : vector<16xf32>
        %add3A_258 = arith.addf %add3A_256, %mul3A_257 : vector<16xf32>
        %mul3A_259 = arith.mulf %gather3A_226, %select_n3A_63 : vector<16xf32>
        %add3A_260 = arith.addf %add3A_258, %mul3A_259 : vector<16xf32>
        %mul3A_261 = arith.mulf %gather3A_229, %select_n3A_71 : vector<16xf32>
        %add3A_262 = arith.addf %add3A_260, %mul3A_261 : vector<16xf32>
        %mul3A_263 = arith.mulf %add3A_262, %broadcast_in_dim3A_252 : vector<16xf32>
        %broadcast_in_dim3A_264 = vector.broadcast %scan3A_106 : i32 to vector<16xi32>
        tpu.vector_store_idx %arg17[%broadcast_in_dim3A_264, %iota3A], %mul3A_263 : memref<200x16xf32, #tpu.memory_space<vmem>>[vector<16xi32>, vector<16xi32>], vector<16xf32>,
      } else {
      }
      %jit3A_238 = arith.constant 4.500000e-01 : f32
      %jit3A_239 = arith.constant 2.000000e+30 : f32
      %select_n3A_240 = arith.select %gt3A_180, %jit3A_238, %jit3A_239 : f32
      %broadcast_in_dim3A_241 = vector.broadcast %select_n3A_240 : f32 to vector<16xf32>
      %broadcast_in_dim3A_242 = arith.constant -1.000000e+30 : f32
      %broadcast_in_dim3A_243 = vector.broadcast %broadcast_in_dim3A_242 : f32 to vector<16xf32>
      %broadcast_in_dim3A_244 = arith.constant 1.07374182E+9 : f32
      %broadcast_in_dim3A_245 = vector.broadcast %broadcast_in_dim3A_244 : f32 to vector<16xf32>
      %parallel_loop3A = arith.constant 0 : i32
      %parallel_loop3A_246 = arith.constant 40 : i32
      %parallel_loop3A_247 = arith.constant 1 : i32
      %parallel_loop3A_248:2 = scf.for %parallel_loop3A_249 = %parallel_loop3A to %parallel_loop3A_246 step %parallel_loop3A_247 iter_args(%parallel_loop3A_250 = %broadcast_in_dim3A_243, %parallel_loop3A_251 = %broadcast_in_dim3A_245) -> (vector<16xf32>, vector<16xf32>)  : i32 {
        %parallel_loop3A_252 = arith.constant 16 : i32
        %parallel_loop3A_253 = arith.muli %parallel_loop3A_249, %parallel_loop3A_252 : i32
        %parallel_loop3A_254 = vector.broadcast %parallel_loop3A_253 : i32 to vector<16xi32>
        %parallel_loop3A_255 = arith.addi %iota3A, %parallel_loop3A_254 : vector<16xi32>
        %parallel_loop3A_256 = tpu.vector_load_idx %arg10[%parallel_loop3A_255] : memref<640xf32, #tpu.memory_space<vmem>>[vector<16xi32>], vector<16xf32>,
        %parallel_loop3A_257 = tpu.vector_load_idx %arg11[%parallel_loop3A_255] : memref<640xf32, #tpu.memory_space<vmem>>[vector<16xi32>], vector<16xf32>,
        %parallel_loop3A_258 = tpu.vector_load_idx %arg12[%parallel_loop3A_255] : memref<640xf32, #tpu.memory_space<vmem>>[vector<16xi32>], vector<16xf32>,
        %parallel_loop3A_259 = tpu.vector_load_idx %arg13[%parallel_loop3A_255] : memref<640xf32, #tpu.memory_space<vmem>>[vector<16xi32>], vector<16xf32>,
        %parallel_loop3A_260 = tpu.vector_load_idx %arg14[%parallel_loop3A_255] : memref<640xf32, #tpu.memory_space<vmem>>[vector<16xi32>], vector<16xf32>,
        %parallel_loop3A_261 = arith.maximumf %gather3A_220, %parallel_loop3A_256 : vector<16xf32>
        %parallel_loop3A_262 = arith.maximumf %gather3A_223, %parallel_loop3A_257 : vector<16xf32>
        %parallel_loop3A_263 = arith.minimumf %gather3A_226, %parallel_loop3A_258 : vector<16xf32>
        %parallel_loop3A_264 = arith.minimumf %gather3A_229, %parallel_loop3A_259 : vector<16xf32>
        %parallel_loop3A_265 = arith.subf %parallel_loop3A_263, %parallel_loop3A_261 : vector<16xf32>
        %parallel_loop3A_266 = arith.constant 0.000000e+00 : f32
        %parallel_loop3A_267 = vector.broadcast %parallel_loop3A_266 : f32 to vector<16xf32>
        %parallel_loop3A_268 = arith.maximumf %parallel_loop3A_265, %parallel_loop3A_267 : vector<16xf32>
        %parallel_loop3A_269 = arith.subf %parallel_loop3A_264, %parallel_loop3A_262 : vector<16xf32>
        %parallel_loop3A_270 = arith.constant 0.000000e+00 : f32
        %parallel_loop3A_271 = vector.broadcast %parallel_loop3A_270 : f32 to vector<16xf32>
        %parallel_loop3A_272 = arith.maximumf %parallel_loop3A_269, %parallel_loop3A_271 : vector<16xf32>
        %parallel_loop3A_273 = arith.mulf %parallel_loop3A_268, %parallel_loop3A_272 : vector<16xf32>
        %parallel_loop3A_274 = arith.addf %gather3A_232, %parallel_loop3A_260 : vector<16xf32>
        %parallel_loop3A_275 = arith.subf %parallel_loop3A_274, %parallel_loop3A_273 : vector<16xf32>
        %parallel_loop3A_276 = arith.constant 9.99999996E-13 : f32
        %parallel_loop3A_277 = vector.broadcast %parallel_loop3A_276 : f32 to vector<16xf32>
        %parallel_loop3A_278 = arith.maximumf %parallel_loop3A_275, %parallel_loop3A_277 : vector<16xf32>
        %parallel_loop3A_279 = arith.divf %parallel_loop3A_273, %parallel_loop3A_278 : vector<16xf32>
        %parallel_loop3A_280 = arith.cmpf ogt, %parallel_loop3A_279, %broadcast_in_dim3A_241 : vector<16xf32>
        %parallel_loop3A_281 = tpu.vector_load_idx %arg9[%parallel_loop3A_255] : memref<640xf32, #tpu.memory_space<vmem>>[vector<16xi32>], vector<16xf32>,
        %parallel_loop3A_282 = arith.constant -1.000000e+30 : f32
        %parallel_loop3A_283 = vector.broadcast %parallel_loop3A_282 : f32 to vector<16xf32>
        %parallel_loop3A_284 = arith.select %parallel_loop3A_280, %parallel_loop3A_283, %parallel_loop3A_281 : vector<16xi1>, vector<16xf32>
        tpu.vector_store_idx %arg9[%parallel_loop3A_255], %parallel_loop3A_284 : memref<640xf32, #tpu.memory_space<vmem>>[vector<16xi32>], vector<16xf32>,
        %parallel_loop3A_285 = vector.broadcast %mul3A_32 : i32 to vector<16xi32>
        %parallel_loop3A_286 = arith.addi %parallel_loop3A_255, %parallel_loop3A_285 : vector<16xi32>
        %parallel_loop3A_287 = arith.sitofp %parallel_loop3A_286 : vector<16xi32> to vector<16xf32>
        %parallel_loop3A_288 = arith.cmpf ogt, %parallel_loop3A_284, %parallel_loop3A_250 : vector<16xf32>
        %parallel_loop3A_289 = arith.cmpf oeq, %parallel_loop3A_284, %parallel_loop3A_250 : vector<16xf32>
        %parallel_loop3A_290 = arith.cmpf olt, %parallel_loop3A_287, %parallel_loop3A_251 : vector<16xf32>
        %parallel_loop3A_291 = arith.andi %parallel_loop3A_289, %parallel_loop3A_290 : vector<16xi1>
        %parallel_loop3A_292 = arith.ori %parallel_loop3A_288, %parallel_loop3A_291 : vector<16xi1>
        %parallel_loop3A_293 = arith.select %parallel_loop3A_292, %parallel_loop3A_284, %parallel_loop3A_250 : vector<16xi1>, vector<16xf32>
        %parallel_loop3A_294 = arith.select %parallel_loop3A_292, %parallel_loop3A_287, %parallel_loop3A_251 : vector<16xi1>, vector<16xf32>
        scf.yield %parallel_loop3A_293, %parallel_loop3A_294 : vector<16xf32>, vector<16xf32>
      } {sc.loop_unroll_factor = 4 : i64, sc.parallel_access}
      scf.yield %parallel_loop3A_248#0, %parallel_loop3A_248#1 : vector<16xf32>, vector<16xf32>
    }
    %scan3A_102 = arith.constant 200 : i32
    %eq3A_103 = arith.constant 0 : i32
    %eq3A_104 = arith.cmpi eq, %select_n3A_30, %eq3A_103 : i32
    %convert_element_type3A = arith.extui %eq3A_104 : i1 to i32
    %cond3A = arith.constant 0 : i32
    %cond3A_105 = arith.cmpi ne, %convert_element_type3A, %cond3A : i32
    scf.if %cond3A_105 {
      "tpu.region"() ({
        %run_scoped3A = tpu.sem_alloc : memref<!tpu.dma_semaphore, #tpu.memory_space<semaphore_mem>>
        %dma_start3A = arith.constant 0 : i32
        %dma_start3A_106 = arith.constant 0 : i32
        %dma_start3A_107 = tpu.memref_slice %arg7[%add3A, %dma_start3A, %dma_start3A_106] : memref<4x200x16xf32, #tpu.memory_space<hbm>> -> memref<1x200x16xf32, #tpu.memory_space<hbm>>
        %dma_start3A_108 = tpu.memref_squeeze %dma_start3A_107 : memref<1x200x16xf32, #tpu.memory_space<hbm>> -> memref<200x16xf32, #tpu.memory_space<hbm>>
        %dma_start3A_109 = arith.constant 0 : i32
        %dma_start3A_110 = arith.constant 0 : i32
        %dma_start3A_111 = tpu.memref_slice %arg7[%add3A, %dma_start3A_109, %dma_start3A_110] : memref<4x200x16xf32, #tpu.memory_space<hbm>> -> memref<1x200x16xf32, #tpu.memory_space<hbm>>
        %dma_start3A_112 = tpu.memref_squeeze %dma_start3A_111 : memref<1x200x16xf32, #tpu.memory_space<hbm>> -> memref<200x16xf32, #tpu.memory_space<hbm>>
        tpu.enqueue_dma source(%arg17 : memref<200x16xf32, #tpu.memory_space<vmem>>) target(%dma_start3A_112 : memref<200x16xf32, #tpu.memory_space<hbm>>) target_semaphore(%run_scoped3A : memref<!tpu.dma_semaphore, #tpu.memory_space<semaphore_mem>>)
        %dma_wait3A = arith.constant 0 : i32
        %dma_wait3A_113 = arith.constant 0 : i32
        %dma_wait3A_114 = tpu.memref_slice %arg7[%add3A, %dma_wait3A, %dma_wait3A_113] : memref<4x200x16xf32, #tpu.memory_space<hbm>> -> memref<1x200x16xf32, #tpu.memory_space<hbm>>
        %dma_wait3A_115 = tpu.memref_squeeze %dma_wait3A_114 : memref<1x200x16xf32, #tpu.memory_space<hbm>> -> memref<200x16xf32, #tpu.memory_space<hbm>>
        %dma_wait3A_116 = arith.constant 0 : i32
        %dma_wait3A_117 = arith.constant 0 : i32
        %dma_wait3A_118 = tpu.memref_slice %arg7[%add3A, %dma_wait3A_116, %dma_wait3A_117] : memref<4x200x16xf32, #tpu.memory_space<hbm>> -> memref<1x200x16xf32, #tpu.memory_space<hbm>>
        %dma_wait3A_119 = tpu.memref_squeeze %dma_wait3A_118 : memref<1x200x16xf32, #tpu.memory_space<hbm>> -> memref<200x16xf32, #tpu.memory_space<hbm>>
        tpu.wait_dma2 semaphore(%run_scoped3A : memref<!tpu.dma_semaphore, #tpu.memory_space<semaphore_mem>>) src(%arg17 : memref<200x16xf32, #tpu.memory_space<vmem>>) dst(%dma_wait3A_119 : memref<200x16xf32, #tpu.memory_space<hbm>>)
        tpu.yield
      }) : () -> ()
    } else {
    }
    return
  }
}

</mosaic_0001>

<sc_bundles>
// kernel: kernel.3.cloned.1.call-start
scs
__scs_entry_jumppad:
0x0: {  	(pc) =	sbr.rel $0x88, $3  }
0x1: {  	(tag) =	ssettag $0x0;
	lr =	simm.s32 $0x1  }
0x2: {  	[smem:$0x3F9E] =	sst lr;
	_ =	strace $0xD0000000  }
0x3: {  	_ = 	snop  }
0x4: {  	_ = 	snop  }
0x5: {  	_ = 	snop  }
0x6: {  	_ = 	snop  }
0x7: {  	_ = 	snop  }
__scs_overlays_trampoline_lowered:
0x8: {  	[smem:$0x3FAD] =	sst s0  }
0x9: {  	[smem:$0x3FAE] =	sst s1  }
0xa: {  	[smem:$0x3FAF] =	sst s2  }
0xb: {  	[smem:$0x3FB0] =	sst s3  }
0xc: {  	[smem:$0x3FB1] =	sst s4  }
0xd: {  	[smem:$0x3FB2] =	sst s5  }
0xe: {  	[smem:$0x3FB3] =	sst s6  }
0xf: {  	[smem:$0x3FB4] =	sst s7  }
0x10: {  	[smem:$0x3FB5] =	sst s8  }
0x11: {  	[smem:$0x3FB6] =	sst s9;
	s0 =	simm.s32 @!p0 $0x0  }
0x12: {  	s1 =	sld [smem:$0x3F9C];
	s0 =	simm.s32 @p0 $0x1  }
0x13: {  	[smem:$0x3FB7] =	sst s0;
	s0 =	simm.s32 @!p1 $0x0  }
0x14: {  	s2 =	sld [smem:$0x3F9B];
	s0 =	simm.s32 @p1 $0x1  }
0x15: {  	[smem:$0x3FB8] =	sst s0;
	s0 =	simm.s32 @!p2 $0x0  }
0x16: {  	s3 =	sld [smem:$0x3FDB];
	s0 =	simm.s32 @p2 $0x1  }
0x17: {  	s4 =	simm.s32 $0x1BF5;
	[smem:$0x3FBA] =	sst s0  }
0x18: {  	s0 =	sld [smem:$0x3F9D];
	_ =	swait.ge [sflag:s4], $0x0  }
0x19: {  	s7 =	sld [smem:$0x3F9E]  }
0x1a: {  	s8 =	sadd.s32 $0xFFFFE003, lr  }
0x1b: {  	s9 =	sadd.s32 $0xFFFFFEF7, lr;
	s5 =	simm.s32 $0xFFFFFFFF;
	p2 =	slt.u32 s8, $0xFFFFF086  }
0x1c: {  	p1 =	slt.u32 s9, $0xF7A;
	s5 =	simm.s32 @!p2 $0x0  }
0x1d: {  	s5 =	simm.s32 @p1 $0x1;
	p0 =	seq.s32 s7, s2  }
0x1e: {  	s7 =	smul.u32 @!p0 $0xF7A, s2;
	p2 =	seq.s32 @!p0 s5, $0x0  }
0x1f: {  	s9 =	smul.u32 $0xF7A, s1;
	s8 =	simm.s32 @!p0 $0x1BF5;
	p2 =	por !p2, p0  }
0x20: {  	[sflag:s8] =	ssyncset.s32 @!p0 $0xFFFFF086;
	s6 =	sadd.s32 @!p0 s3, s7;
	s7 =	simm.s32 @!p0 $0x108  }
0x21: {  	s3 =	sadd.s32 s3, s9;
	s6 =	sadd.s32 @!p0 $0x88, s6;
	s7 =	simm.s32 @p2 $0x1082  }
0x22: {  	[simem:s7], [sflag:s8] =	dma.local @!p0 [hbm:s6], $0xF7A  }
0x23: {  	s9 =	sor.u32 $0xD0000000, s2;
	s6 =	simm.s32 $0x108;
	_ =	swait.ge @!p0 [sflag:s8], $0x0  }
0x24: {  	s3 =	sadd.s32 $0x88, s3;
	s6 =	simm.s32 @!p1 $0x1082;
	[sflag:s4] =	ssyncset.s32 $0xFFFFF086  }
0x25: {  	[simem:s6], [sflag:s4] =	dma.local [hbm:s3], $0xF7A  }
0x26: {  	[smem:$0x3F9E] =	sst s1;
	(tag) =	ssettag s2;
	_ =	strace s9  }
0x27: {  	s1 =	sld [smem:$0x3FAE]  }
0x28: {  	s2 =	sld [smem:$0x3FAF]  }
0x29: {  	s4 =	sld [smem:$0x3FB1]  }
0x2a: {  	p0 =	seq.s32 s5, $0x0;
	s5 =	sld [smem:$0x3FB2]  }
0x2b: {  	s6 =	sld [smem:$0x3FB3]  }
0x2c: {  	s7 =	sld [smem:$0x3FB4]  }
0x2d: {  	s3 =	simm.s32 $0x108;
	s8 =	sld [smem:$0x3FB5]  }
0x2e: {  	s3 =	simm.s32 @!p0 $0x1082;
	s9 =	sld [smem:$0x3FB6]  }
0x2f: {  	lr =	sadd.s32 s0, s3;
	s0 =	sld [smem:$0x3FAD]  }
0x30: {  	s3 =	sld [smem:$0x3FB0]  }
0x31: {  	[smem:$0x3FB9] =	sst s10  }
0x32: {  	s10 =	sld [smem:$0x3FB7];
	_ =	sdelay $0x3  }
0x33: {  	p0 =	seq.s32 s10, $0x1;
	s10 =	sld [smem:$0x3FB9];
	_ =	sdelay $0x3  }
0x34: {  	[smem:$0x3FB9] =	sst s10  }
0x35: {  	s10 =	sld [smem:$0x3FB8];
	_ =	sdelay $0x3  }
0x36: {  	p1 =	seq.s32 s10, $0x1;
	s10 =	sld [smem:$0x3FB9];
	_ =	sdelay $0x3  }
0x37: {  	[smem:$0x3FB9] =	sst s10  }
0x38: {  	s10 =	sld [smem:$0x3FBA]  }
0x39: {  	_ = 	snop;
	(pc) =	sbr.ind lr, $3  }
0x3a: {  	_ = 	snop  }
0x3b: {  	_ = 	snop  }
0x3c: {  	p2 =	seq.s32 s10, $0x1;
	s10 =	sld [smem:$0x3FB9]  }
0x3d: {  	_ =	shalt  }
0x3e: {  	_ =	shalt  }
0x3f: {  	_ =	shalt  }
0x40: {  	_ =	shalt  }
0x41: {  	_ =	shalt  }
0x42: {  	_ =	shalt  }
0x43: {  	_ =	shalt  }
0x44: {  	_ =	shalt  }
0x45: {  	_ =	shalt  }
0x46: {  	_ =	shalt  }
0x47: {  	_ =	shalt  }
0x48: {  	_ =	shalt  }
0x49: {  	_ =	shalt  }
0x4a: {  	_ =	shalt  }
0x4b: {  	_ =	shalt  }
0x4c: {  	_ =	shalt  }
0x4d: {  	_ =	shalt  }
0x4e: {  	_ =	shalt  }
0x4f: {  	_ =	shalt  }
0x50: {  	_ =	shalt  }
0x51: {  	_ =	shalt  }
0x52: {  	_ =	shalt  }
0x53: {  	_ =	shalt  }
0x54: {  	_ =	shalt  }
0x55: {  	_ =	shalt  }
0x56: {  	_ =	shalt  }
0x57: {  	_ =	shalt  }
0x58: {  	_ =	shalt  }
0x59: {  	_ =	shalt  }
0x5a: {  	_ =	shalt  }
0x5b: {  	_ =	shalt  }
0x5c: {  	_ =	shalt  }
0x5d: {  	_ =	shalt  }
0x5e: {  	_ =	shalt  }
0x5f: {  	_ =	shalt  }
0x60: {  	_ =	shalt  }
0x61: {  	_ =	shalt  }
0x62: {  	_ =	shalt  }
0x63: {  	_ =	shalt  }
0x64: {  	_ =	shalt  }
0x65: {  	_ =	shalt  }
0x66: {  	_ =	shalt  }
0x67: {  	_ =	shalt  }
0x68: {  	_ =	shalt  }
0x69: {  	_ =	shalt  }
0x6a: {  	_ =	shalt  }
0x6b: {  	_ =	shalt  }
0x6c: {  	_ =	shalt  }
0x6d: {  	_ =	shalt  }
0x6e: {  	_ =	shalt  }
0x6f: {  	_ =	shalt  }
0x70: {  	_ =	shalt  }
0x71: {  	_ =	shalt  }
0x72: {  	_ =	shalt  }
0x73: {  	_ =	shalt  }
0x74: {  	_ =	shalt  }
0x75: {  	_ =	shalt  }
0x76: {  	_ =	shalt  }
0x77: {  	_ =	shalt  }
0x78: {  	_ =	shalt  }
0x79: {  	_ =	shalt  }
0x7a: {  	_ =	shalt  }
0x7b: {  	_ =	shalt  }
0x7c: {  	_ =	shalt  }
0x7d: {  	_ =	shalt  }
0x7e: {  	_ =	shalt  }
0x7f: {  	_ =	shalt  }
0x80: {  	_ =	shalt  }
0x81: {  	_ =	shalt  }
0x82: {  	_ =	shalt  }
0x83: {  	_ =	shalt  }
0x84: {  	_ =	shalt  }
0x85: {  	_ =	shalt  }
0x86: {  	_ =	shalt  }
0x87: {  	_ =	shalt  }
.Lfunc_end0:
.L_simem_size_0:
called_computation_lowered:
.L_overlay_start_0:
0x88: {  	s2 =	sld [smem:$0x3FD9]  }
0x89: {  	s3 =	sld [smem:$0x3FFE];
	_ =	sdelay $0x1  }
0x8a: {  	s1 =	srdreg.scid  }
0x8b: {  	s0 =	sand.u32 $0x1, s1  }
0x8c: {  	s17 =	sshll.u32 s0, $0xA;
	s2 =	sadd.s32 s3, s2  }
0x8d: {  	s2 =	sadd.s32 s2, s17  }
0x8e: {  	[smem:$0x3FC5] =	sst s2  }
0x8f: {  	_ = 	snop  }
0x90: {  	s2 =	sld [smem:$0x3FD0];
	(tm) =	ssettm $0x1  }
0x91: {  	s18 =	sld [smem:$0x3FFB];
	_ =	sdelay $0x3  }
0x92: {  	_ =	strace s18  }
0x93: {  	s3 =	sld [smem:$0x3FFC];
	_ =	sdelay $0x3  }
0x94: {  	_ =	strace s3  }
0x95: {  	s3 =	sld [smem:$0x3FFD];
	_ =	sdelay $0x3  }
0x96: {  	_ =	strace s3  }
0x97: {  	_ =	strace $0x8FFFFFFF  }
0x98: {  	s19 =	sld [smem:$0x3FDB];
	_ =	sdelay $0x1  }
0x99: {  	s4 =	simm.s32 $_scs_section_size  }
0x9a: {  	s5 =	simm.s32 $_size__tile_overlayer_lowered;
	s6 =	simm.s32 $_tile_overlayer_lowered  }
0x9b: {  	s22 =	simm.s32 $0x1BFF;
	s21 =	sshll.u32 s6, $0x1;
	s3 =	sadd.s32 s4, s19  }
0x9c: {  	s7 =	simm.s32 $0x0;
	s20 =	sshll.u32 s5, $0x1;
	s5 =	sadd.s32 s21, s3  }
0x9d: {  	[timem:s7], [sflag:s22] =	dma.local [hbm:s5], s20  }
0x9e: {  	_ =	swait.ge [sflag:s22], s20  }
0x9f: {  	s4 =	ssub.s32 $0x0, s20;
	[sflag:s22] =	ssyncset.done $0x0  }
0xa0: {  	[sflag:s22] =	ssyncadd.s32 s4;
	_ =	sdelay $0x1  }
0xa1: {  	s23 =	simm.s32 $0x1B8B  }
0xa2: {  	_ =	swait.ge [sflag:s23], $0x1  }
0xa3: {  	[sflag:s23] =	ssyncset.done $0x0  }
0xa4: {  	s25 =	simm.s32 $0x1B8E;
	s24 =	sld [smem:$0x3FFE];
	[sflag:s23] =	ssyncadd.s32 $0xFFFFFFFF  }
0xa5: {  	s26 =	simm.s32 $execute0_lowered;
	[smem:$0x3FD2] =	sst s25  }
0xa6: {  	s5 =	sshll.u32 s26, $0x1;
	_ =	strace $0x80000046;
	[dreg:$0x1] =	wrdreg $0xFFFFFFFF  }
0xa7: {  	s28 =	simm.s32 $_size_execute0_lowered;
	s3 =	sadd.s32 s3, s5;
	[dreg:$0x0] =	wrdreg $0x0  }
0xa8: {  	s5 =	sshll.u32 s28, $0x1;
	[dreg:$0x2] =	wrdreg s3  }
0xa9: {  	[dreg:$0x3] =	wrdreg s5  }
0xaa: {  	[dreg:$0x4] =	wrdreg $0xC0  }
0xab: {  	_ =	task [dreg:s7], $0x5FFFF  }
0xac: {  	[dreg:$0x1] =	wrdreg $0xFFFFFFFF  }
0xad: {  	[dreg:$0x0] =	wrdreg $0x60  }
0xae: {  	[dreg:$0x2] =	wrdreg s24  }
0xaf: {  	[dreg:$0x3] =	wrdreg s2  }
0xb0: {  	[dreg:$0x4] =	wrdreg $0x9  }
0xb1: {  	_ =	task.clear_ibuf [dreg:s7], $0x5FFFF;
	_ =	strace $0x90000046  }
0xb2: {  	s29 =	simm.s32 $0x9;
	_ =	strace $0x80000048  }
0xb3: {  	_ =	swait.ge [sflag:s29], $0x1  }
0xb4: {  	[sflag:s29] =	ssyncadd.s32 $0xFFFFFFFF  }
0xb5: {  	_ =	strace $0x90000048  }
0xb6: {  	_ =	sfence  }
0xb7: {  	s30 =	sld [smem:$0x0];
	_ =	sdelay $0x2  }
0xb8: {  	s31 =	sshll.u32 s1, $0xD;
	s1 =	sshrl.u32 s1, $0x2  }
0xb9: {  	s3 =	sand.u32 $0x4000, s31;
	s1 =	sadd.s32 s1, s30  }
0xba: {  	s0 =	sor.u32 s3, s0;
	s1 =	sshll.u32 s1, $0x11  }
0xbb: {  	s0 =	sor.u32 s1, s0  }
0xbc: {  	s0 =	sadd.s32 $0x8F2B, s0  }
0xbd: {  	[sflag:s0] =	ssyncadd.remote.s32 $0x1  }
0xbe: {  	_ =	sfence.sel $0xFFFF  }
0xbf: {  	[dreg:$0x0] =	wrdreg $0xFFFFFFFF;
	(pc) =	sbr.abs _section_cstart, $3  }
0xc0: {  	[dreg:$0x1] =	wrdreg $0xFFFFFFFF  }
0xc1: {  	_ =	task.clear_ibuf [dreg:s7], $0x2FFFF;
	_ =	strace $0x9FFFFFFF  }
0xc2: {  	(tm) =	ssettm $0x7FFFFFFF  }
0xc3: {  	_ =	shalt  }
tec
execute0_lowered:
.L_overlay_start_1:
0x0: {  	(tag) =	ssettag $0x1  }
0x1: {  	s0 =	stileid.u32;
	s6 =	rddreg [dreg:$0x0]  }
0x2: {  	s1 =	srdreg.scid;
	s3 =	rddreg [dreg:$0x1];
	s14 =	simm.s32 $0x80  }
0x3: {  	s15 =	simm.s32 $0x200;
	s16 =	simm.s32 $0x1;
	s17 =	simm.s32 $0x280  }
0x4: {  	v1 =	vlaneseq.u32;
	vm0 =	vcmask $0x300;
	s18 =	simm.s32 $0x500;
	s20 =	simm.s32 $0xA00;
	s21 =	simm.s32 $0xC80  }
0x5: {  	v8 =	vimm.f32 $0.0e+00;
	vm1 =	vcmask $0x704;
	vm2 =	vcmask $0xB08;
	s22 =	simm.s32 $0xF00;
	s23 =	simm.s32 $0xF80;
	s24 =	simm.s32 $0x0  }
0x6: {  	vm3 =	vcmask $0xF0C;
	v6 =	vimm.s32 $0x380;
	v7 =	vimm.s32 $0x386;
	s19 =	sand.u32 $0x7, s0;
	s5 =	sand.u32 $0x1, s1;
	s4 =	sshrl.u32 s0, $0x3  }
0x7: {  	vm4 =	vcmask $0x1310;
	v2 =	vsel vm0, $0x3F800000, v8;
	v3 =	vsel vm1, $0x3F800000, v8;
	s11 =	sshll.u32 s0, $0x7;
	s1 =	smul.u32 $0x280, s19;
	s2 =	sshll.u32 s5, $0x1  }
0x8: {  	v4 =	vsel vm2, $0x3F800000, v8;
	v5 =	vsel vm3, $0x3F800000, v8;
	v6 =	vsel vm0, $0x0, v6;
	s7 =	smul.u32 $0xA00, s19;
	s5 =	ssub.s32 $0x2, s5;
	s11 =	sand.u32 $0x380, s11  }
0x9: {  	v7 =	vsel vm0, $0x6, v7;
	vm0 =	vcmask $0x1714;
	v9 =	vsel vm1, $0x80, v6;
	p0 =	sne.s32 s19, $0x0;
	s19 =	simm.s32 $0x780;
	s10 =	sor.u32 s4, s2  }
0xa: {  	v6 =	vsel vm4, $0x3F800000, v8;
	v7 =	vsel vm1, $0x86, v7;
	vm1 =	vcmask $0x1B18;
	s2 =	rddreg [dreg:$0x2];
	s4 =	simm.s32 $0x0;
	s31 =	sshrl.u32 s5, $0x1  }
0xb: {  	v9 =	vsel vm2, $0x100, v9;
	v10 =	vsel vm2, $0x106, v7;
	v7 =	vsel vm0, $0x3F800000, v8;
	s8 =	sshll.u32 s10, $0x7;
	[smem:$0x7FF] =	sst s4;
	s30 =	smul.u32 $0xC80, s10  }
0xc: {  	[tilespmem:$0x1FFF0] =	vst v2;
	v8 =	vsel vm1, $0x3F800000, v8;
	vm2 =	vcmask @!p0 $0xB08;
	v0 =	vmov s1;
	s13 =	ssub.s32 s5, s31;
	s10 =	sshll.u32 s10, $0xA;
	s7 =	sor.u32 s7, s8  }
0xd: {  	v9 =	vsel vm3, $0x180, v9;
	v10 =	vsel vm3, $0x186, v10;
	vm3 =	vcmask @!p0 $0xF0C;
	_ =	strace $0x80000047;
	s11 =	sor.u32 s11, s10;
	s7 =	sshrl.u32 s7, $0x3  }
0xe: {  	s13 =	smax.u32 s13, $0x1;
	v9 =	vsel vm4, $0x200, v9;
	v10 =	vsel vm4, $0x206, v10;
	vm4 =	vcmask @!p0 $0x1310;
	s12 =	sadd.s32 s30, s6;
	s9 =	sadd.s32 s7, s6  }
0xf: {  	v9 =	vsel vm0, $0x280, v9;
	v10 =	vsel vm0, $0x286, v10;
	vm0 =	vcmask @!p0 $0x300;
	s12 =	sadd.s32 $0x4000, s12;
	s5 =	sadd.s32 $0xE00, s9;
	s6 =	sadd.s32 $0x3600, s9  }
0x10: {  	v9 =	vsel vm1, $0x300, v9;
	v10 =	vsel vm1, $0x306, v10;
	vm1 =	vcmask @!p0 $0x704;
	s7 =	sadd.s32 $0x2C00, s9;
	s8 =	sadd.s32 $0x2200, s9;
	s9 =	sadd.s32 $0x1800, s9  }
.LBB2_1:
0x11: {  	[tilespmem:s4], [sflag:$0x1] =	stream.strided.gather [hbm4b:s5+s14], $0x280, s15, s14, $0x38;
	[tilespmem:$0x7780] =	vst v63  }
0x12: {  	_ =	swait.ge [sflag:s16], $0x280  }
0x13: {  	[sflag:s16] =	ssyncset.done $0x0  }
0x14: {  	[sflag:s16] =	ssyncadd.s32 $0xFFFFFD80  }
0x15: {  	[tilespmem:s17], [sflag:$0x1] =	stream.strided.gather [hbm4b:s6+s14], $0x280, s15, s14, $0x38;
	[tilespmem:$0x7780] =	vst v63  }
0x16: {  	_ =	swait.ge [sflag:s16], $0x280  }
0x17: {  	[sflag:s16] =	ssyncset.done $0x0  }
0x18: {  	[sflag:s16] =	ssyncadd.s32 $0xFFFFFD80  }
0x19: {  	[tilespmem:s18], [sflag:$0x1] =	stream.strided.gather [hbm4b:s7+s14], $0x280, s15, s14, $0x38;
	[tilespmem:$0x7780] =	vst v63  }
0x1a: {  	_ =	swait.ge [sflag:s16], $0x280  }
0x1b: {  	[sflag:s16] =	ssyncset.done $0x0  }
0x1c: {  	[sflag:s16] =	ssyncadd.s32 $0xFFFFFD80  }
0x1d: {  	[tilespmem:s19], [sflag:$0x1] =	stream.strided.gather [hbm4b:s8+s14], $0x280, s15, s14, $0x38;
	[tilespmem:$0x7780] =	vst v63  }
0x1e: {  	_ =	swait.ge [sflag:s16], $0x280  }
0x1f: {  	[sflag:s16] =	ssyncset.done $0x0  }
0x20: {  	v12 =	vor.u32 s4, v1;
	[sflag:s16] =	ssyncadd.s32 $0xFFFFFD80  }
0x21: {  	[tilespmem:s20], [sflag:$0x1] =	stream.strided.gather [hbm4b:s9+s14], $0x280, s15, s14, $0x38;
	[tilespmem:$0x7780] =	vst v63  }
0x22: {  	_ =	swait.ge [sflag:s16], $0x280  }
0x23: {  	[sflag:s16] =	ssyncset.done $0x0  }
0x24: {  	[sflag:s16] =	ssyncadd.s32 $0xFFFFFD80  }
0x25: {  	v11 =	vld.idx.msk [tilespmem:v12+s20+$0x0], $0xffff  }
0x26: {  	v13 =	vld.idx.msk [tilespmem:v12+s17+$0x0], $0xffff  }
0x27: {  	v14 =	vld.idx.msk [tilespmem:v12+s19+$0x0], $0xffff  }
0x28: {  	v15 =	vld.idx.msk [tilespmem:v12+s18+$0x0], $0xffff;
	_ =	sdelay $0x4  }
0x29: {  	v13 =	vsub.f32 v14, v13;
	v11 =	vsub.f32 v11, v15;
	_ =	sdelay $0x1  }
0x2a: {  	v13 =	vmul.f32 v11, v13;
	_ =	sdelay $0x1  }
0x2b: {  	[tilespmem:v12+s21+$0x0] =	vst.idx.msk $0xffff, v13  }
0x2c: {  	v17 =	vld.idx.msk [tilespmem:v12+s4+$0x0], $0xffff;
	_ =	sdelay $0x1  }
0x2d: {  	s25 =	simm.s32 $0x10;
	v14 =	vadd.s32 v0, v12  }
0x2e: {  	v15 =	vor.u32 s25, v1;
	v14 =	vcvt.s32.f32 v14  }
0x2f: {  	s26 =	simm.s32 $0x20;
	s25 =	simm.s32 $0x0;
	v16 =	vadd.s32 v0, v15;
	v11 =	vimm.f32 $-1.000000020e+30;
	v13 =	vimm.f32 $1.073741820e+09  }
.LBB2_2:
0x30: {  	p1 =	sne.s32 s26, $0x270;
	v16 =	vcvt.s32.f32 v16;
	vm5 =	vgt.f32 v17, $9.999999770e-03;
	s28 =	smov.u32 s26;
	s26 =	sadd.s32 $0x10, s26  }
0x31: {  	v17 =	vnsel vm5, $0xF149F2CA, v17  }
0x32: {  	[tilespmem:v12+s25+$0x0] =	vst.idx.msk $0xffff, v17;
	vm5 =	vgt.f32 v17, v11;
	v12 =	vmov v15  }
0x33: {  	v18 =	vld.idx.msk [tilespmem:v15+s20+$0x0], $0xffff;
	v11 =	vsel vm5, v17, v11;
	v13 =	vsel vm5, v14, v13;
	v14 =	vmov v16  }
0x34: {  	v16 =	vld.idx.msk [tilespmem:v15+s17+$0x0], $0xffff  }
0x35: {  	v17 =	vld.idx.msk [tilespmem:v15+s19+$0x0], $0xffff  }
0x36: {  	v15 =	vld.idx.msk [tilespmem:v15+s18+$0x0], $0xffff;
	_ =	sdelay $0x4  }
0x37: {  	v16 =	vsub.f32 v17, v16  }
0x38: {  	v15 =	vsub.f32 v18, v15;
	_ =	sdelay $0x1  }
0x39: {  	v15 =	vmul.f32 v15, v16  }
0x3a: {  	s25 =	simm.s32 $0x0  }
0x3b: {  	[tilespmem:v12+s21+$0x0] =	vst.idx.msk $0xffff, v15  }
0x3c: {  	v17 =	vld.idx.msk [tilespmem:v12+s25+$0x0], $0xffff  }
.Ltmp0:
0x3d: {  	(pc) =	sbr.rel @p1 .LBB2_2-.Ltmp0, $3  }
0x3e: {  	_ =	sdelay $0x1  }
0x3f: {  	v15 =	vor.u32 s28, v1  }
0x40: {  	v16 =	vadd.s32 v0, v15  }
0x41: {  	_ =	sdelay $0x1  }
0x42: {  	vm5 =	vgt.f32 v17, $9.999999770e-03  }
0x43: {  	v17 =	vnsel vm5, $0xF149F2CA, v17  }
0x44: {  	[tilespmem:v12+s25+$0x0] =	vst.idx.msk $0xffff, v17  }
0x45: {  	v12 =	vld.idx.msk [tilespmem:v15+s20+$0x0], $0xffff  }
0x46: {  	v18 =	vld.idx.msk [tilespmem:v15+s17+$0x0], $0xffff  }
0x47: {  	v19 =	vld.idx.msk [tilespmem:v15+s19+$0x0], $0xffff  }
0x48: {  	v20 =	vld.idx.msk [tilespmem:v15+s18+$0x0], $0xffff;
	_ =	sdelay $0x4  }
0x49: {  	v18 =	vsub.f32 v19, v18;
	v12 =	vsub.f32 v12, v20;
	_ =	sdelay $0x1  }
0x4a: {  	v12 =	vmul.f32 v12, v18;
	_ =	sdelay $0x1  }
0x4b: {  	[tilespmem:v15+s21+$0x0] =	vst.idx.msk $0xffff, v12  }
0x4c: {  	v12 =	vld.idx.msk [tilespmem:v15+s25+$0x0], $0xffff;
	_ =	sdelay $0x4  }
0x4d: {  	vm5 =	vgt.f32 v17, v11;
	vm6 =	vgt.f32 v12, $9.999999770e-03  }
0x4e: {  	v16 =	vcvt.s32.f32 v16;
	v11 =	vsel vm5, v17, v11;
	v12 =	vnsel vm6, $0xF149F2CA, v12  }
0x4f: {  	v13 =	vsel vm5, v14, v13;
	vm5 =	vgt.f32 v12, v11  }
0x50: {  	[tilespmem:v15+s25+$0x0] =	vst.idx.msk $0xffff, v12;
	v11 =	vsel vm5, v12, v11;
	v12 =	vsel vm5, v16, v13  }
.LBB2_4:
0x51: {  	(xrf0) =	vmax.scan.msk.f32 $0xffff, v11;
	_ =	sdelay $0x5  }
0x52: {  	v13, _, _ =	vpop (xrf0)  }
0x53: {  	v14 =	vbroadcast v13, $0xF;
	_ =	sdelay $0x1  }
0x54: {  	vm5 =	veq.f32 v11, v14  }
0x55: {  	v11 =	vnsel vm5, $0x4E800000, v12  }
0x56: {  	(xrf0) =	vmin.scan.msk.f32 $0xffff, v11;
	_ =	sdelay $0x5  }
0x57: {  	(v2sf) =	vpush v13, $0xF;
	v11, _, _ =	vpop (xrf0)  }
0x58: {  	(v2sf) =	vpush v11, $0xF;
	_ =	sdelay $0xd  }
0x59: {  	s26 =	spop (v2sf)  }
0x5a: {  	s28 =	spop (v2sf)  }
0x5b: {  	s28 =	scvt.f32.s32 s28  }
0x5c: {  	p1 =	sgt.f32 s26, $9.999999770e-03  }
0x5d: {  	s26 =	ssub.s32 s28, s1  }
0x5e: {  	s26 =	simm.s32 @!p1 $0x0  }
0x5f: {  	v12 =	vmov s26;
	_ =	sdelay $0x3  }
0x60: {  	v2 =	vld [tilespmem:$0x1FFF0]  }
0x61: {  	v13 =	vld.idx.msk [tilespmem:v12+s17+$0x0], $0xffff;
	_ =	sdelay $0x1  }
0x62: {  	v15 =	vld.idx.msk [tilespmem:v12+s18+$0x0], $0xffff;
	_ =	sdelay $0x1  }
0x63: {  	v16 =	vld.idx.msk [tilespmem:v12+s19+$0x0], $0xffff  }
0x64: {  	v14 =	vmul.f32 v2, v14;
	v13 =	vmul.f32 v3, v13  }
0x65: {  	v17 =	vld.idx.msk [tilespmem:v12+s20+$0x0], $0xffff  }
0x66: {  	v13 =	vadd.f32 v13, v14;
	v14 =	vmul.f32 v4, v15  }
0x67: {  	v12 =	vld.idx.msk [tilespmem:v12+s21+$0x0], $0xffff  }
0x68: {  	v13 =	vadd.f32 v14, v13;
	v14 =	vmul.f32 v5, v16;
	_ =	sdelay $0x1  }
0x69: {  	v13 =	vadd.f32 v14, v13;
	v14 =	vmul.f32 v6, v17;
	_ =	sdelay $0x1  }
0x6a: {  	v11 =	vbroadcast v11, $0xF;
	v12 =	vmul.f32 v7, v12;
	v13 =	vadd.f32 v14, v13;
	_ =	sdelay $0x1  }
0x6b: {  	s30 =	sshll.u32 s25, $0xC;
	v11 =	vmul.f32 v8, v11;
	v12 =	vadd.f32 v12, v13  }
0x6c: {  	s26 =	sand.u32 $0x1000, s30  }
0x6d: {  	s28 =	sor.u32 s11, s26;
	v11 =	vadd.f32 v12, v11  }
0x6e: {  	s28 =	sshrl.u32 s28, $0x3  }
0x6f: {  	s28 =	sadd.s32 s3, s28;
	[tilespmem:$0xF00] =	vst v11  }
0x70: {  	[hbm4b:s28+s4] =	stream.linear.scatter [tilespmem:s22], [sflag:$0x1], $0x80, $0x38;
	[tilespmem:$0x7780] =	vst v63  }
0x71: {  	_ =	swait.ge [sflag:s16], $0x80  }
0x72: {  	s26 =	sor.u32 s10, s26;
	[sflag:s16] =	ssyncset.done $0x0  }
0x73: {  	s26 =	sshrl.u32 s26, $0x3;
	[sflag:s16] =	ssyncadd.s32 $0xFFFFFF80  }
0x74: {  	s26 =	sadd.s32 s3, s26;
	[bflag:$0x0] =	sbarrier.arrive $0xFFFF  }
0x75: {  	[tilespmem:s23], [sflag:$0x1] =	stream.linear.gather [hbm4b:s26+s4], $0x400, $0x38;
	[tilespmem:$0x7780] =	vst v63  }
0x76: {  	_ =	swait.ge [sflag:s16], $0x400  }
0x77: {  	[sflag:s16] =	ssyncset.done $0x0  }
0x78: {  	[sflag:s16] =	ssyncadd.s32 $0xFFFFFC00  }
0x79: {  	v11 =	vld.idx.msk [tilespmem:v9+s23+$0x0], $0xffff;
	_ =	sdelay $0x4  }
0x7a: {  	(xrf0) =	vmax.scan.msk.f32 $0xffff, v11;
	_ =	sdelay $0x4  }
0x7b: {  	v12 =	vld.idx.msk [tilespmem:v10+s23+$0x0], $0xffff  }
0x7c: {  	v13, _, _ =	vpop (xrf0)  }
0x7d: {  	v14 =	vbroadcast v13, $0xF;
	_ =	sdelay $0x1  }
0x7e: {  	vm5 =	veq.f32 v11, v14  }
0x7f: {  	v11 =	vnsel vm5, $0x4E800000, v12  }
0x80: {  	(xrf0) =	vmin.scan.msk.f32 $0xffff, v11;
	_ =	sdelay $0x5  }
0x81: {  	(v2sf) =	vpush v13, $0xF;
	v11, _, _ =	vpop (xrf0)  }
0x82: {  	(v2sf) =	vpush v11, $0xF;
	_ =	sdelay $0xd  }
0x83: {  	s26 =	spop (v2sf)  }
0x84: {  	s28 =	spop (v2sf)  }
0x85: {  	s28 =	scvt.f32.s32 s28;
	_ =	sdelay $0x1  }
0x86: {  	s29 =	smulhi.u32 $0x66666667, s28;
	s30 =	sshra.s32 s28, $0x1F  }
0x87: {  	s30 =	smul.u32 $0x66666667, s30;
	_ =	sdelay $0x1  }
0x88: {  	s29 =	sadd.s32 s30, s29  }
0x89: {  	s30 =	sshrl.u32 s29, $0x1F;
	s29 =	sshra.s32 s29, $0x8  }
0x8a: {  	s29 =	sadd.s32 s30, s29  }
0x8b: {  	s30 =	smul.u32 $0xFFFFFD80, s29  }
0x8c: {  	s31 =	ssub.s32 $0x0, s28  }
0x8d: {  	p6 =	slt.s32 s28, $0x1;
	p2 =	sne.s32 s30, s31  }
0x8e: {  	p1 =	por !p6, !p2  }
0x8f: {  	s28 =	simm.s32 $0x1;
	p2 =	por !p1, !p1  }
0x90: {  	p1 =	sgt.f32 s26, $9.999999770e-03;
	s28 =	simm.s32 @!p2 $0x0  }
0x91: {  	s28 =	ssub.s32 s29, s28  }
0x92: {  	s28 =	simm.s32 @!p1 $0x0  }
0x93: {  	s28 =	sshll.u32 s28, $0x7  }
0x94: {  	v11 =	vmov s28  }
0x95: {  	v12 =	vor.u32 $0x1, v11;
	_ =	sdelay $0x1  }
0x96: {  	v13 =	vor.u32 $0x2, v11;
	_ =	sdelay $0x1  }
0x97: {  	v15 =	vor.u32 $0x3, v11  }
0x98: {  	v12 =	vld.idx.msk [tilespmem:v12+s23+$0x0], $0xffff  }
0x99: {  	v16 =	vor.u32 $0x4, v11  }
0x9a: {  	v13 =	vld.idx.msk [tilespmem:v13+s23+$0x0], $0xffff  }
0x9b: {  	v18 =	vimm.f32 @!p0 $0.0e+00  }
0x9c: {  	v19 =	vsel @!p0 vm1, $0x3F800000, v18;
	v17 =	vsel @!p0 vm0, $0x3F800000, v18;
	v15 =	vld.idx.msk [tilespmem:v15+s23+$0x0], $0xffff  }
0x9d: {  	v14 =	vmul.f32 @!p0 v17, v14;
	v19 =	vmul.f32 @!p0 v19, v12  }
0x9e: {  	v17 =	vld.idx.msk [tilespmem:v16+s23+$0x0], $0xffff;
	v16 =	vsel @!p0 vm2, $0x3F800000, v18  }
0x9f: {  	v16 =	vmul.f32 @!p0 v16, v13;
	v14 =	vadd.f32 @!p0 v14, v19  }
0xa0: {  	v19 =	vsel @!p0 vm3, $0x3F800000, v18  }
0xa1: {  	v14 =	vadd.f32 @!p0 v14, v16;
	v16 =	vmul.f32 @!p0 v19, v15  }
0xa2: {  	v18 =	vsel @!p0 vm4, $0x3F800000, v18  }
0xa3: {  	p2 =	sgt.f32 @!p0 s26, $9.999999770e-03;
	s26 =	sshll.u32 @!p0 s25, $0x7;
	v14 =	vadd.f32 @!p0 v14, v16;
	v16 =	vmul.f32 @!p0 v18, v17;
	v18 =	vlaneseq.u32 @!p0  }
0xa4: {  	s31 =	simm.s32 $0x0;
	v11 =	vor.u32 $0x5, v11;
	v18 =	vor.u32 @!p0 s26, v18  }
0xa5: {  	v30 =	vor.u32 s31, v1;
	s29 =	simm.s32 $0x10;
	p2 =	por !p2, p0;
	s28 =	simm.f32 @!p0 $1.000000000e+00;
	v14 =	vadd.f32 @!p0 v14, v16  }
0xa6: {  	s30 =	simm.s32 $0x20;
	v32 =	vor.u32 s29, v1;
	s28 =	simm.s32 @p2 $0x0  }
0xa7: {  	v31 =	vor.u32 s30, v1;
	v14 =	vmul.f32 @!p0 s28, v14  }
0xa8: {  	s26 =	simm.s32 @!p0 $0x1380  }
0xa9: {  	v16 =	vld.idx.msk [tilespmem:v11+s23+$0x0], $0xffff;
	[tilespmem:v18+s26+$0x0] =	vst.idx.msk @!p0 $0xffff, v14  }
0xaa: {  	v11 =	vld.idx.msk [tilespmem:v30+s21+$0x0], $0xffff  }
0xab: {  	v14 =	vld.idx.msk [tilespmem:v32+s18+$0x0], $0xffff  }
0xac: {  	v18 =	vld.idx.msk [tilespmem:v31+s21+$0x0], $0xffff  }
0xad: {  	v19 =	vld.idx.msk [tilespmem:v30+s19+$0x0], $0xffff  }
0xae: {  	v20 =	vld.idx.msk [tilespmem:v31+s18+$0x0], $0xffff  }
0xaf: {  	s30 =	simm.s32 $0x40;
	v21 =	vld.idx.msk [tilespmem:v31+s19+$0x0], $0xffff  }
0xb0: {  	v33 =	vor.u32 s30, v1;
	v22 =	vld.idx.msk [tilespmem:v31+s17+$0x0], $0xffff  }
0xb1: {  	v23 =	vld.idx.msk [tilespmem:v30+s20+$0x0], $0xffff  }
0xb2: {  	v24 =	vld.idx.msk [tilespmem:v30+s18+$0x0], $0xffff  }
0xb3: {  	v40 =	vadd.s32 v0, v30;
	v25 =	vld.idx.msk [tilespmem:v30+s17+$0x0], $0xffff  }
0xb4: {  	v40 =	vcvt.s32.f32 v40;
	v26 =	vld.idx.msk [tilespmem:v32+s17+$0x0], $0xffff  }
0xb5: {  	v38 =	vimm.f32 $-1.000000020e+30;
	v39 =	vimm.f32 $1.073741820e+09;
	v43 =	vadd.s32 v0, v31;
	v46 =	vld.idx.msk [tilespmem:v33+s20+$0x0], $0xffff  }
0xb6: {  	v44 =	vadd.s32 v0, v33;
	vm6 =	vgt.f32 v39, v40;
	v41 =	vadd.s32 v0, v32;
	s28 =	simm.s32 $0x30;
	v29 =	vld.idx.msk [tilespmem:v31+s20+$0x0], $0xffff  }
0xb7: {  	v41 =	vcvt.s32.f32 v41;
	v35 =	vor.u32 s28, v1;
	v34 =	vld.idx.msk [tilespmem:v32+s19+$0x0], $0xffff;
	v27 =	vadd.f32 v11, v16  }
0xb8: {  	s31 =	simm.s32 $0x50;
	v28 =	vld.idx.msk [tilespmem:v32+s20+$0x0], $0xffff;
	v21 =	vmin.f32 v15, v21;
	v22 =	vmax.f32 v12, v22;
	v18 =	vadd.f32 v18, v16  }
0xb9: {  	v11 =	vor.u32 s31, v1;
	v23 =	vmin.f32 v17, v23;
	v24 =	vmax.f32 v13, v24  }
0xba: {  	v47 =	vld.idx.msk [tilespmem:v33+s18+$0x0], $0xffff;
	v19 =	vmin.f32 v15, v19;
	v46 =	vmin.f32 v17, v46;
	v21 =	vsub.f32 v21, v22  }
0xbb: {  	v49 =	vld.idx.msk [tilespmem:v33+s17+$0x0], $0xffff;
	v22 =	vsub.f32 v23, v24;
	v23 =	vmax.f32 v12, v25;
	v24 =	vmax.f32 v13, v14  }
0xbc: {  	v61 =	vld.idx.msk [tilespmem:v35+s20+$0x0], $0xffff;
	v14 =	vmax.f32 v13, v20;
	v20 =	vmin.f32 v17, v29;
	v29 =	vmin.f32 v15, v34  }
0xbd: {  	s31 =	simm.s32 $0x60;
	v25 =	vld.idx.msk [tilespmem:v32+s21+$0x0], $0xffff;
	v19 =	vsub.f32 v19, v23;
	v23 =	vmax.f32 v12, v26;
	v26 =	vmin.f32 v17, v28  }
0xbe: {  	v20 =	vsub.f32 v20, v14;
	v14 =	vor.u32 s31, v1;
	v24 =	vsub.f32 v26, v24;
	v26 =	vld.idx.msk [tilespmem:v35+s19+$0x0], $0xffff  }
0xbf: {  	v22 =	vmax.f32 v22, $0.0e+00;
	v23 =	vsub.f32 v29, v23;
	v29 =	vld.idx.msk [tilespmem:v35+s17+$0x0], $0xffff;
	v19 =	vmax.f32 v19, $0.0e+00  }
0xc0: {  	v21 =	vmax.f32 v21, $0.0e+00;
	v20 =	vmax.f32 v20, $0.0e+00;
	v28 =	vld.idx.msk [tilespmem:v11+s21+$0x0], $0xffff;
	v19 =	vmul.f32 v22, v19  }
0xc1: {  	v22 =	vld.idx.msk [tilespmem:v33+s21+$0x0], $0xffff;
	v20 =	vmul.f32 v20, v21;
	v21 =	vmax.f32 v23, $0.0e+00;
	v23 =	vmax.f32 v24, $0.0e+00  }
0xc2: {  	v36 =	vld.idx.msk [tilespmem:v11+s18+$0x0], $0xffff;
	v24 =	vadd.f32 v25, v16;
	v21 =	vmul.f32 v23, v21;
	v25 =	vsub.f32 v27, v19  }
0xc3: {  	v47 =	vmax.f32 v13, v47;
	v49 =	vmax.f32 v12, v49;
	v63 =	vld.idx.msk [tilespmem:v11+s17+$0x0], $0xffff;
	v27 =	vsub.f32 v18, v20  }
0xc4: {  	s26 =	simm.f32 $4.499999880e-01;
	v46 =	vsub.f32 v46, v47;
	v23 =	vld.idx.msk [tilespmem:v35+s18+$0x0], $0xffff;
	v24 =	vsub.f32 v24, v21;
	v25 =	vmax.f32 v25, $9.999999960e-13  }
0xc5: {  	s26 =	simm.s32 @!p1 $0x71C9F2CA;
	v34 =	vmin.f32 v17, v61;
	v42 =	vld.idx.msk [tilespmem:v14+s19+$0x0], $0xffff;
	v27 =	vmax.f32 v27, $9.999999960e-13;
	(erf) = vrcp.f32 v25  }
0xc6: {  	v18 =	vmov s26;
	v45 =	vld.idx.msk [tilespmem:v14+s17+$0x0], $0xffff;
	v24 =	vmax.f32 v24, $9.999999960e-13;
	(erf) = vrcp.f32 v27  }
0xc7: {  	v37 =	vld.idx.msk [tilespmem:v14+s21+$0x0], $0xffff;
	v26 =	vmin.f32 v15, v26;
	v48 =	vmax.f32 v12, v29;
	(erf) = vrcp.f32 v24  }
0xc8: {  	v52 =	vld.idx.msk [tilespmem:v11+s19+$0x0], $0xffff;
	v29 =	vadd.s32 v0, v11;
	v26 =	vsub.f32 v26, v48;
	v62 =	vadd.f32 v22, v16  }
0xc9: {  	v25 =	vld.idx.msk [tilespmem:v33+s19+$0x0], $0xffff;
	v28 =	vadd.f32 v28, v16;
	v36 =	vmax.f32 v13, v36;
	v23 =	vmax.f32 v13, v23  }
0xca: {  	v26 =	vmax.f32 v26, $0.0e+00;
	v24 =	vadd.s32 v0, v35;
	v34 =	vsub.f32 v34, v23  }
0xcb: {  	v23 =	vadd.s32 v0, v14;
	v42 =	vmin.f32 v15, v42;
	v45 =	vmax.f32 v12, v45  }
0xcc: {  	v50 =	vld.idx.msk [tilespmem:v11+s20+$0x0], $0xffff;
	v37 =	vadd.f32 v37, v16;
	v24 =	vcvt.s32.f32 v24;
	v22 =	vmax.f32 v34, $0.0e+00  }
0xcd: {  	s30 =	simm.s32 $0x70;
	v27 =	vld.idx.msk [tilespmem:v14+s18+$0x0], $0xffff;
	v34 =	vmax.f32 v12, v63;
	v47 =	vmul.f32 v22, v26;
	v26 =	vmin.f32 v15, v52  }
0xce: {  	v54 =	vld.idx.msk [tilespmem:v14+s20+$0x0], $0xffff;
	v25 =	vmin.f32 v15, v25;
	v22 =	vor.u32 s30, v1;
	v26 =	vsub.f32 v26, v34;
	v51 =	vpop (erf)  }
0xcf: {  	v57 =	vld.idx.msk [tilespmem:v30+s4+$0x0], $0xffff;
	v42 =	vsub.f32 v42, v45;
	v25 =	vsub.f32 v25, v49;
	v34 =	vcvt.s32.f32 v44;
	v53 =	vpop (erf)  }
0xd0: {  	v56 =	vld.idx.msk [tilespmem:v35+s21+$0x0], $0xffff;
	v26 =	vmax.f32 v26, $0.0e+00;
	v19 =	vmul.f32 v51, v19;
	v55 =	vpop (erf);
	v58 =	vmul.f32 v53, v20  }
0xd1: {  	v20 =	vmax.f32 v25, $0.0e+00;
	v25 =	vmin.f32 v17, v50;
	v45 =	vmul.f32 v55, v21  }
0xd2: {  	v21 =	vmax.f32 v46, $0.0e+00;
	vm5 =	vgt.f32 v19, v18;
	v19 =	vmax.f32 v13, v27  }
0xd3: {  	v60 =	vld.idx.msk [tilespmem:v22+s20+$0x0], $0xffff;
	v25 =	vsub.f32 v25, v36;
	v50 =	vmul.f32 v21, v20;
	v20 =	vmin.f32 v17, v54  }
0xd4: {  	v63 =	vld.idx.msk [tilespmem:v22+s17+$0x0], $0xffff;
	v21 =	vmax.f32 v42, $0.0e+00;
	v49 =	vsel vm5, $0xF149F2CA, v57;
	v57 =	vcvt.s32.f32 v43  }
0xd5: {  	v19 =	vsub.f32 v20, v19;
	v20 =	vadd.f32 v56, v16;
	v25 =	vmax.f32 v25, $0.0e+00  }
0xd6: {  	vm5 =	veq.f32 v49, v38;
	vm7 =	vgt.f32 v49, v38;
	v52 =	vmul.f32 v25, v26  }
0xd7: {  	s28 =	simm.s32 $0x80;
	v42 =	vld.idx.msk [tilespmem:v22+s19+$0x0], $0xffff;
	vm5 =	vmand vm6, vm5;
	vm6 =	vgt.f32 v58, v18;
	v27 =	vsub.f32 v20, v47  }
0xd8: {  	v56 =	vmin.f32 v17, v60;
	v19 =	vmax.f32 v19, $0.0e+00;
	v20 =	vor.u32 s28, v1  }
0xd9: {  	s29 =	simm.s32 $0x90;
	v48 =	vld.idx.msk [tilespmem:v35+s4+$0x0], $0xffff;
	v46 =	vmax.f32 v12, v63;
	v51 =	vmul.f32 v19, v21;
	v27 =	vmax.f32 v27, $9.999999960e-13  }
0xda: {  	s31 =	simm.s32 $0xA0;
	v36 =	vld.idx.msk [tilespmem:v32+s4+$0x0], $0xffff;
	vm5 =	vmor vm7, vm5;
	v21 =	vor.u32 s29, v1;
	(erf) = vrcp.f32 v27  }
0xdb: {  	v19 =	vor.u32 s31, v1;
	v59 =	vsub.f32 v37, v51;
	v27 =	vsub.f32 v62, v50;
	v37 =	vld.idx.msk [tilespmem:v31+s4+$0x0], $0xffff  }
0xdc: {  	v38 =	vsel vm5, v49, v38;
	v39 =	vsel vm5, v40, v39;
	v42 =	vmin.f32 v15, v42;
	v62 =	vld.idx.msk [tilespmem:v22+s18+$0x0], $0xffff  }
0xdd: {  	v46 =	vsub.f32 v42, v46;
	v26 =	vmax.f32 v27, $9.999999960e-13;
	v27 =	vsub.f32 v28, v52;
	v53 =	vld.idx.msk [tilespmem:v20+s21+$0x0], $0xffff  }
0xde: {  	v25 =	vmax.f32 v59, $9.999999960e-13;
	v28 =	vadd.s32 v0, v20;
	v43 =	vld.idx.msk [tilespmem:v20+s19+$0x0], $0xffff;
	(erf) = vrcp.f32 v26  }
0xdf: {  	v54 =	vld.idx.msk [tilespmem:v20+s18+$0x0], $0xffff;
	v26 =	vadd.s32 v0, v22;
	(erf) = vrcp.f32 v25;
	v61 =	vmax.f32 v27, $9.999999960e-13  }
0xe0: {  	v44 =	vld.idx.msk [tilespmem:v19+s19+$0x0], $0xffff;
	v27 =	vcvt.s32.f32 v26;
	v26 =	vadd.s32 v0, v21;
	v25 =	vadd.s32 v0, v19  }
0xe1: {  	v55 =	vld.idx.msk [tilespmem:v19+s21+$0x0], $0xffff;
	(erf) = vrcp.f32 v61;
	v58 =	vsel vm6, $0xF149F2CA, v37;
	vm6 =	vgt.f32 v45, v18  }
0xe2: {  	v45 =	vld.idx.msk [tilespmem:v19+s17+$0x0], $0xffff;
	v61 =	vmax.f32 v13, v62;
	v40 =	vsel vm6, $0xF149F2CA, v36;
	vm6 =	vgt.f32 v39, v41  }
0xe3: {  	v36 =	vadd.f32 v53, v16;
	vm5 =	veq.f32 v40, v38;
	v53 =	vsub.f32 v56, v61;
	v56 =	vld.idx.msk [tilespmem:v20+s17+$0x0], $0xffff;
	v60 =	vpop (erf)  }
0xe4: {  	vm7 =	vgt.f32 v40, v38;
	vm5 =	vmand vm6, vm5;
	v37 =	vmul.f32 v60, v47;
	v47 =	vld.idx.msk [tilespmem:v20+s20+$0x0], $0xffff  }
0xe5: {  	v54 =	vmax.f32 v13, v54;
	[tilespmem:v32+s4+$0x0] =	vst.idx.msk $0xffff, v40;
	v62 =	vmin.f32 v15, v44;
	vm5 =	vmor vm7, vm5  }
0xe6: {  	v59 =	vld.idx.msk [tilespmem:v21+s21+$0x0], $0xffff;
	v42 =	vadd.f32 v55, v16;
	v60 =	vsel vm5, v40, v38;
	v61 =	vsel vm5, v41, v39  }
0xe7: {  	v39 =	vld.idx.msk [tilespmem:v21+s18+$0x0], $0xffff;
	v41 =	vmax.f32 v53, $0.0e+00;
	v38 =	vmin.f32 v15, v43;
	v63 =	vmax.f32 v12, v45  }
0xe8: {  	v55 =	vld.idx.msk [tilespmem:v21+s20+$0x0], $0xffff;
	vm5 =	veq.f32 v58, v60;
	vm6 =	vgt.f32 v61, v57;
	v44 =	vsub.f32 v62, v63  }
0xe9: {  	v53 =	vld.idx.msk [tilespmem:v19+s18+$0x0], $0xffff;
	v62 =	vmax.f32 v46, $0.0e+00;
	vm8 =	vgt.f32 v58, v60;
	v47 =	vmin.f32 v17, v47  }
0xea: {  	v45 =	vld.idx.msk [tilespmem:v21+s17+$0x0], $0xffff;
	vm7 =	vgt.f32 v37, v18;
	v43 =	vmax.f32 v12, v56;
	v37 =	vpop (erf);
	v46 =	vsub.f32 v47, v54  }
0xeb: {  	v40 =	vmul.f32 v41, v62;
	v56 =	vpop (erf);
	v54 =	vsub.f32 v38, v43;
	v38 =	vadd.f32 v59, v16;
	v59 =	vld.idx.msk [tilespmem:v19+s20+$0x0], $0xffff  }
0xec: {  	v63 =	vpop (erf);
	v43 =	vsel vm7, $0xF149F2CA, v48;
	v48 =	vmax.f32 v13, v39;
	v39 =	vmul.f32 v56, v51;
	v51 =	vld.idx.msk [tilespmem:v33+s4+$0x0], $0xffff  }
0xed: {  	vm5 =	vmand vm6, vm5;
	v50 =	vmul.f32 v37, v50;
	v37 =	vmul.f32 v63, v52;
	v52 =	vld.idx.msk [tilespmem:v22+s21+$0x0], $0xffff  }
0xee: {  	[tilespmem:v30+s4+$0x0] =	vst.idx.msk $0xffff, v49;
	v55 =	vmin.f32 v17, v55;
	vm5 =	vmor vm8, vm5;
	v32 =	vmax.f32 v44, $0.0e+00;
	v47 =	vld.idx.msk [tilespmem:v21+s19+$0x0], $0xffff  }
0xef: {  	v49 =	vsel vm5, v57, v61;
	v45 =	vmax.f32 v12, v45;
	v56 =	vmax.f32 v13, v53  }
0xf0: {  	vm7 =	vgt.f32 v50, v18;
	v48 =	vsub.f32 v55, v48;
	v59 =	vmin.f32 v17, v59  }
0xf1: {  	[tilespmem:v31+s4+$0x0] =	vst.idx.msk $0xffff, v58;
	v46 =	vmax.f32 v46, $0.0e+00;
	v54 =	vmax.f32 v54, $0.0e+00;
	v63 =	vsub.f32 v59, v56  }
0xf2: {  	[tilespmem:v35+s4+$0x0] =	vst.idx.msk $0xffff, v43;
	v30 =	vmul.f32 v46, v54;
	v35 =	vsel vm7, $0xF149F2CA, v51;
	v44 =	vadd.f32 v52, v16  }
0xf3: {  	s26 =	simm.s32 $0xB0;
	s28 =	simm.s32 $0x8;
	s29 =	simm.s32 $0xF0;
	v46 =	vmin.f32 v15, v47;
	v47 =	vsel vm5, v58, v60;
	[tilespmem:v33+s4+$0x0] =	vst.idx.msk $0xffff, v35;
	v41 =	vmax.f32 v63, $0.0e+00  }
.LBB2_5:
0xf4: {  	v41 =	vmul.f32 v41, v32;
	v50 =	vsub.f32 v44, v40  }
0xf5: {  	s30 =	sadd.s32 $0xFFFFFFD0, s29;
	s31 =	sadd.s32 $0xFFFFFFE0, s29;
	s28 =	sadd.s32 $0x4, s28;
	vm5 =	veq.f32 v43, v47;
	v31 =	vmovc v20;
	vm6 =	vgt.f32 v43, v47;
	v32 =	vor.u32 s26, v1  }
0xf6: {  	vm7 =	vgt.f32 v49, v24;
	v20 =	vor.u32 s30, v1;
	v44 =	vor.u32 s31, v1;
	s30 =	sadd.s32 $0xFFFFFFF0, s29;
	p1 =	slt.u32 s28, $0x24  }
0xf7: {  	s26 =	smov.u32 s29;
	v45 =	vsub.f32 v46, v45;
	v36 =	vsub.f32 v36, v30;
	v33 =	vor.u32 s30, v1  }
0xf8: {  	v57 =	vcvt.s32.f32 v23;
	vm5 =	vmand vm7, vm5;
	v42 =	vsub.f32 v42, v41;
	v46 =	vld.idx.msk [tilespmem:v11+s4+$0x0], $0xffff  }
0xf9: {  	v59 =	vcvt.s32.f32 v28;
	v50 =	vmax.f32 v50, $9.999999960e-13;
	vm5 =	vmor vm6, vm5;
	v51 =	vld.idx.msk [tilespmem:v14+s4+$0x0], $0xffff  }
0xfa: {  	v43 =	vsel vm5, v43, v47;
	v47 =	vsel vm5, v24, v49;
	v24 =	vmovc v27;
	v52 =	vld.idx.msk [tilespmem:v22+s4+$0x0], $0xffff;
	(erf) = vrcp.f32 v50  }
0xfb: {  	v27 =	vmax.f32 v45, $0.0e+00;
	v45 =	vmax.f32 v48, $0.0e+00;
	vm5 =	veq.f32 v35, v43;
	v49 =	vld.idx.msk [tilespmem:v44+s21+$0x0], $0xffff  }
0xfc: {  	v45 =	vmul.f32 v45, v27;
	v27 =	vmax.f32 v42, $9.999999960e-13;
	vm6 =	vgt.f32 v47, v34;
	v42 =	vld.idx.msk [tilespmem:v32+s20+$0x0], $0xffff  }
0xfd: {  	v36 =	vmax.f32 v36, $9.999999960e-13;
	vm7 =	vgt.f32 v35, v43;
	vm5 =	vmand vm6, vm5;
	v48 =	vld.idx.msk [tilespmem:v32+s19+$0x0], $0xffff  }
0xfe: {  	v38 =	vsub.f32 v38, v45;
	vm5 =	vmor vm7, vm5;
	v50 =	vld.idx.msk [tilespmem:v20+s21+$0x0], $0xffff;
	(erf) = vrcp.f32 v36  }
0xff: {  	vm6 =	vgt.f32 v39, v18;
	v36 =	vadd.s32 v0, v32;
	v53 =	vld.idx.msk [tilespmem:v44+s18+$0x0], $0xffff;
	(erf) = vrcp.f32 v27  }
0x100: {  	v39 =	vadd.s32 v0, v20;
	v38 =	vmax.f32 v38, $9.999999960e-13;
	v27 =	vcvt.s32.f32 v36;
	v54 =	vld.idx.msk [tilespmem:v32+s18+$0x0], $0xffff  }
0x101: {  	v23 =	vmovc v25;
	v55 =	vadd.s32 v0, v44;
	v36 =	vadd.s32 v0, v33;
	v56 =	vld.idx.msk [tilespmem:v33+s21+$0x0], $0xffff;
	(erf) = vrcp.f32 v38  }
0x102: {  	v29 =	vcvt.s32.f32 v29;
	v35 =	vsel vm5, v35, v43;
	v25 =	vmovc v36;
	v42 =	vmin.f32 v17, v42;
	v38 =	vld.idx.msk [tilespmem:v32+s17+$0x0], $0xffff  }
0x103: {  	v34 =	vsel vm5, v34, v47;
	v51 =	vsel vm6, $0xF149F2CA, v51;
	vm6 =	vgt.f32 v37, v18;
	v58 =	vld.idx.msk [tilespmem:v20+s19+$0x0], $0xffff;
	v28 =	vpop (erf)  }
0x104: {  	v43 =	vsel vm6, $0xF149F2CA, v46;
	v48 =	vmin.f32 v15, v48;
	v60 =	vld.idx.msk [tilespmem:v33+s18+$0x0], $0xffff;
	v37 =	vmul.f32 v28, v40  }
0x105: {  	vm6 =	vgt.f32 v34, v29;
	vm5 =	veq.f32 v43, v35;
	v28 =	vmov v39;
	v40 =	vld.idx.msk [tilespmem:v33+s19+$0x0], $0xffff  }
0x106: {  	vm7 =	vgt.f32 v43, v35;
	vm5 =	vmand vm6, vm5;
	v36 =	vadd.f32 v50, v16;
	v39 =	vld.idx.msk [tilespmem:v33+s17+$0x0], $0xffff  }
0x107: {  	vm5 =	vmor vm7, vm5;
	v2 =	vmax.f32 v13, v54;
	v46 =	vld.idx.msk [tilespmem:v20+s20+$0x0], $0xffff;
	v50 =	vpop (erf)  }
0x108: {  	v62 =	vsel vm5, v29, v34;
	v42 =	vsub.f32 v42, v2;
	v38 =	vmax.f32 v12, v38;
	v54 =	vld.idx.msk [tilespmem:v20+s18+$0x0], $0xffff;
	v47 =	vpop (erf)  }
0x109: {  	vm6 =	vgt.f32 v62, v57;
	v38 =	vsub.f32 v48, v38;
	v48 =	vsel vm5, v43, v35;
	v61 =	vld.idx.msk [tilespmem:v20+s17+$0x0], $0xffff  }
0x10a: {  	v63 =	vmax.f32 v42, $0.0e+00;
	v34 =	vmin.f32 v15, v58;
	vm5 =	veq.f32 v51, v48;
	v29 =	vpop (erf);
	[tilespmem:v11+s4+$0x0] =	vst.idx.msk $0xffff, v43  }
0x10b: {  	v40 =	vmin.f32 v15, v40;
	v58 =	vmax.f32 v38, $0.0e+00;
	v11 =	vmovc v21;
	v35 =	vld.idx.msk [tilespmem:v44+s17+$0x0], $0xffff;
	v21 =	vmax.f32 v12, v39  }
0x10c: {  	v42 =	vadd.f32 v56, v16;
	vm7 =	vgt.f32 v51, v48;
	v2 =	vld.idx.msk [tilespmem:v44+s20+$0x0], $0xffff  }
0x10d: {  	vm8 =	vgt.f32 v37, v18;
	v38 =	vadd.f32 v49, v16;
	v39 =	vmin.f32 v17, v46;
	v46 =	vld.idx.msk [tilespmem:v44+s19+$0x0], $0xffff  }
0x10e: {  	v43 =	vsel vm8, $0xF149F2CA, v52;
	v40 =	vsub.f32 v40, v21;
	v37 =	vmax.f32 v13, v54;
	v49 =	vld.idx.msk [tilespmem:v33+s20+$0x0], $0xffff;
	v21 =	vmovc v44  }
0x10f: {  	v52 =	vmax.f32 v13, v53;
	v44 =	vmax.f32 v12, v61;
	v39 =	vsub.f32 v39, v37;
	v53 =	vld.idx.msk [tilespmem:v32+s21+$0x0], $0xffff  }
0x110: {  	v30 =	vmul.f32 v50, v30;
	v37 =	vmul.f32 v29, v45;
	v34 =	vsub.f32 v34, v44;
	v50 =	vld.idx.msk [tilespmem:v31+s4+$0x0], $0xffff  }
0x111: {  	v29 =	vmax.f32 v39, $0.0e+00;
	v45 =	vmax.f32 v12, v35;
	v39 =	vmul.f32 v47, v41;
	[tilespmem:v22+s4+$0x0] =	vst.idx.msk $0xffff, v43  }
0x112: {  	vm8 =	vgt.f32 v30, v18;
	v35 =	vmax.f32 v34, $0.0e+00;
	v2 =	vmin.f32 v17, v2;
	[tilespmem:v14+s4+$0x0] =	vst.idx.msk $0xffff, v51  }
.Ltmp1:
0x113: {  	vm5 =	vmand vm6, vm5;
	v30 =	vmul.f32 v29, v35;
	v46 =	vmin.f32 v15, v46;
	v14 =	vmovc v19;
	v19 =	vmovc v33;
	(pc) =	sbr.rel @p1 .LBB2_5-.Ltmp1, $4  }
0x114: {  	vm5 =	vmor vm7, vm5;
	v22 =	vmovc v32;
	v33 =	vmax.f32 v13, v60;
	v35 =	vmin.f32 v17, v49;
	v29 =	vmovc v26  }
0x115: {  	v32 =	vmax.f32 v40, $0.0e+00;
	v26 =	vmovc v55;
	v34 =	vmovc v59;
	v33 =	vsub.f32 v35, v33;
	v44 =	vadd.f32 v53, v16  }
0x116: {  	v47 =	vsel vm5, v51, v48;
	v40 =	vmul.f32 v63, v58;
	v35 =	vsel vm8, $0xF149F2CA, v50  }
0x117: {  	s29 =	sadd.s32 $0x40, s29;
	v48 =	vsub.f32 v2, v52;
	v49 =	vsel vm5, v57, v62;
	v41 =	vmax.f32 v33, $0.0e+00;
	[tilespmem:v31+s4+$0x0] =	vst.idx.msk $0xffff, v35  }
0x118: {  	v2 =	vmul.f32 v41, v32  }
0x119: {  	v52 =	vsub.f32 v44, v40;
	vm5 =	veq.f32 v43, v47;
	v31 =	vor.u32 s26, v1  }
0x11a: {  	vm6 =	vgt.f32 v49, v24;
	vm7 =	vgt.f32 v43, v47;
	v33 =	vsub.f32 v46, v45  }
0x11b: {  	v36 =	vsub.f32 v36, v30;
	v23 =	vcvt.s32.f32 v23;
	v29 =	vcvt.s32.f32 v29  }
0x11c: {  	vm5 =	vmand vm6, vm5;
	v54 =	vmax.f32 v48, $0.0e+00;
	v41 =	vsub.f32 v42, v2  }
0x11d: {  	v32 =	vmax.f32 v52, $9.999999960e-13;
	vm5 =	vmor vm7, vm5;
	v53 =	vmax.f32 v33, $0.0e+00  }
0x11e: {  	v55 =	vld.idx.msk [tilespmem:v14+s4+$0x0], $0xffff;
	v36 =	vmax.f32 v36, $9.999999960e-13;
	(erf) = vrcp.f32 v32;
	v56 =	vsel vm5, v43, v47  }
0x11f: {  	v60 =	vld.idx.msk [tilespmem:v11+s4+$0x0], $0xffff;
	v32 =	vmul.f32 v54, v53;
	v57 =	vsel vm5, v24, v49;
	vm5 =	veq.f32 v35, v56  }
0x120: {  	v41 =	vmax.f32 v41, $9.999999960e-13;
	vm6 =	vgt.f32 v57, v34;
	vm7 =	vgt.f32 v35, v56;
	v58 =	vld.idx.msk [tilespmem:v31+s20+$0x0], $0xffff  }
0x121: {  	(erf) = vrcp.f32 v36;
	v59 =	vld.idx.msk [tilespmem:v31+s19+$0x0], $0xffff;
	v38 =	vsub.f32 v38, v32;
	vm5 =	vmand vm6, vm5  }
0x122: {  	(erf) = vrcp.f32 v41;
	vm6 =	vgt.f32 v39, v18;
	v63 =	vld.idx.msk [tilespmem:v31+s17+$0x0], $0xffff;
	vm5 =	vmor vm7, vm5  }
0x123: {  	v62 =	vld.idx.msk [tilespmem:v31+s18+$0x0], $0xffff;
	v42 =	vsel vm6, $0xF149F2CA, v55;
	vm6 =	vgt.f32 v37, v18;
	v61 =	vmax.f32 v38, $9.999999960e-13  }
0x124: {  	v47 =	vsel vm5, v35, v56;
	v24 =	vsel vm5, v34, v57;
	v48 =	vsel vm6, $0xF149F2CA, v60  }
0x125: {  	(erf) = vrcp.f32 v61;
	vm5 =	veq.f32 v48, v47;
	vm6 =	vgt.f32 v24, v29  }
0x126: {  	vm7 =	vgt.f32 v48, v47;
	vm5 =	vmand vm6, vm5;
	v17 =	vmin.f32 v17, v58  }
0x127: {  	v49 =	vld.idx.msk [tilespmem:v31+s21+$0x0], $0xffff;
	v15 =	vmin.f32 v15, v59;
	v12 =	vmax.f32 v12, v63;
	vm5 =	vmor vm7, vm5  }
0x128: {  	v13 =	vmax.f32 v13, v62;
	v12 =	vsub.f32 v15, v12;
	v15 =	vsel vm5, v48, v47  }
0x129: {  	v50 =	vld.idx.msk [tilespmem:v22+s4+$0x0], $0xffff;
	v13 =	vsub.f32 v17, v13;
	v51 =	vsel vm5, v29, v24;
	v46 =	vpop (erf);
	vm5 =	veq.f32 v42, v15  }
0x12a: {  	vm6 =	vgt.f32 v51, v23;
	vm7 =	vgt.f32 v42, v15;
	v37 =	vmul.f32 v46, v40  }
0x12b: {  	v13 =	vmax.f32 v13, $0.0e+00;
	v12 =	vmax.f32 v12, $0.0e+00;
	vm5 =	vmand vm6, vm5  }
0x12c: {  	v16 =	vadd.f32 v49, v16;
	v12 =	vmul.f32 v13, v12;
	vm5 =	vmor vm7, vm5  }
0x12d: {  	v53 =	vld.idx.msk [tilespmem:v20+s4+$0x0], $0xffff;
	v13 =	vcvt.s32.f32 v28;
	vm8 =	vgt.f32 v37, v18;
	v15 =	vsel vm5, v42, v15  }
0x12e: {  	v54 =	vpop (erf);
	v17 =	vsel vm5, v23, v51;
	v52 =	vsel vm8, $0xF149F2CA, v50;
	v16 =	vsub.f32 v16, v12  }
0x12f: {  	v55 =	vmul.f32 v54, v30;
	vm6 =	vgt.f32 v17, v27;
	vm5 =	veq.f32 v52, v15  }
0x130: {  	vm7 =	vgt.f32 v52, v15;
	vm5 =	vmand vm6, vm5;
	v16 =	vmax.f32 v16, $9.999999960e-13  }
0x131: {  	v57 =	vld.idx.msk [tilespmem:v21+s4+$0x0], $0xffff;
	v56 =	vpop (erf);
	vm6 =	vgt.f32 v55, v18;
	vm5 =	vmor vm7, vm5;
	(erf) = vrcp.f32 v16  }
0x132: {  	v58 =	vpop (erf);
	v28 =	vsel vm6, $0xF149F2CA, v53;
	v15 =	vsel vm5, v52, v15;
	v17 =	vsel vm5, v27, v17  }
0x133: {  	v16 =	vmul.f32 v58, v32;
	vm5 =	veq.f32 v28, v15;
	vm6 =	vgt.f32 v17, v13  }
0x134: {  	vm7 =	vgt.f32 v28, v15;
	vm5 =	vmand vm6, vm5  }
0x135: {  	v26 =	vcvt.s32.f32 v26;
	v59 =	vld.idx.msk [tilespmem:v19+s4+$0x0], $0xffff;
	vm6 =	vgt.f32 v16, v18;
	vm5 =	vmor vm7, vm5  }
0x136: {  	v16 =	vsel vm6, $0xF149F2CA, v57;
	v15 =	vsel vm5, v28, v15;
	v13 =	vsel vm5, v13, v17  }
0x137: {  	v2 =	vmul.f32 v56, v2;
	vm5 =	veq.f32 v16, v15;
	vm6 =	vgt.f32 v13, v26  }
0x138: {  	vm7 =	vgt.f32 v16, v15;
	vm5 =	vmand vm6, vm5  }
0x139: {  	v60 =	vld.idx.msk [tilespmem:v31+s4+$0x0], $0xffff;
	vm6 =	vgt.f32 v2, v18;
	v2 =	vcvt.s32.f32 v25;
	vm5 =	vmor vm7, vm5  }
0x13a: {  	v61 =	vsel vm6, $0xF149F2CA, v59;
	v62 =	vpop (erf);
	v15 =	vsel vm5, v16, v15;
	v13 =	vsel vm5, v26, v13  }
0x13b: {  	v12 =	vmul.f32 v62, v12;
	vm5 =	veq.f32 v61, v15;
	vm6 =	vgt.f32 v13, v2  }
0x13c: {  	s25 =	sadd.s32 $0x1, s25;
	[tilespmem:v14+s4+$0x0] =	vst.idx.msk $0xffff, v42;
	v63 =	vadd.s32 v0, v31;
	vm7 =	vgt.f32 v61, v15;
	vm5 =	vmand vm6, vm5  }
0x13d: {  	p1 =	sne.s32 s25, $0xC8;
	[tilespmem:v11+s4+$0x0] =	vst.idx.msk $0xffff, v48;
	v25 =	vcvt.s32.f32 v63;
	vm6 =	vgt.f32 v12, v18;
	vm5 =	vmor vm7, vm5  }
.Ltmp2:
0x13e: {  	[tilespmem:v22+s4+$0x0] =	vst.idx.msk $0xffff, v52;
	v11 =	vsel vm6, $0xF149F2CA, v60;
	v12 =	vsel vm5, v61, v15;
	v2 =	vsel vm5, v2, v13;
	(pc) =	sbr.rel @p1 .LBB2_4-.Ltmp2, $4  }
0x13f: {  	[tilespmem:v20+s4+$0x0] =	vst.idx.msk $0xffff, v28;
	vm5 =	veq.f32 v11, v12;
	vm6 =	vgt.f32 v2, v25  }
0x140: {  	[tilespmem:v21+s4+$0x0] =	vst.idx.msk $0xffff, v16;
	vm7 =	vgt.f32 v11, v12;
	vm5 =	vmand vm6, vm5  }
0x141: {  	[tilespmem:v19+s4+$0x0] =	vst.idx.msk $0xffff, v61;
	vm5 =	vmor vm7, vm5  }
0x142: {  	[tilespmem:v31+s4+$0x0] =	vst.idx.msk $0xffff, v11;
	v11 =	vsel vm5, v11, v12;
	v12 =	vsel vm5, v25, v2  }
0x143: {  	s25 =	simm.s32 @!p0 $0x0;
	s26 =	simm.s32 @!p0 $0x1380;
	s24 =	sadd.s32 $0x1, s24  }
0x144: {  	[hbm4b:s12+s25] =	stream.linear.scatter @!p0 [tilespmem:s26], [sflag:$0x1], $0x6400, $0x38;
	[tilespmem:$0x7780] =	vst v63  }
0x145: {  	p1 =	sne.s32 s24, s13  }
.Ltmp3:
0x146: {  	_ = 	snop;
	(pc) =	sbr.rel @p1 .LBB2_1-.Ltmp3, $4  }
0x147: {  	s25 =	simm.s32 @!p0 $0x1  }
0x148: {  	_ =	swait.ge @!p0 [sflag:s25], $0x6400  }
0x149: {  	[sflag:s25] =	ssyncset.done @!p0 $0x0  }
0x14a: {  	[sflag:s25] =	ssyncadd.s32 @!p0 $0xFFFF9C00  }
0x14b: {  	_ =	sfence.sel $0x180000  }
0x14c: {  	[bflag:$0x0] =	sbarrier.arrive $0xFFFF  }
0x14d: {  	p0 =	sne.s32 s0, $0x0;
	_ =	strace $0x90000047  }
0x14e: {  	s0 =	sadd.s32 @!p0 $0x100000, s2;
	[bflag:$0x2] =	sbarrier.arrive $0xFFFF  }
0x14f: {  	[sflag:s0] =	ssyncadd.tile.s32 @!p0 $0x1;
	_ =	shalt  }
.Lfunc_end2:
_tile_overlayer_lowered:
.L_overlay_start_2:
0x150: {  	(tag) =	ssettag $0x2  }
0x151: {  	s0 =	rddreg [dreg:$0x0];
	s2 =	stileid.u32  }
0x152: {  	s1 =	rddreg [dreg:$0x1];
	p0 =	sne.s32 s2, $0x0  }
0x153: {  	s3 =	rddreg [dreg:$0x2];
	[bflag:$0x3] =	sbarrier.arrive $0xFFFF;
	s2 =	simm.s32 @!p0 $0x1C01  }
0x154: {  	[timem:s3], [sflag:s2] =	dma.local @!p0 [hbm:s0], s1  }
0x155: {  	s0 =	simm.s32 @!p0 $0x1  }
0x156: {  	_ =	swait.ge @!p0 [sflag:s0], s1  }
0x157: {  	s1 =	ssub.s32 @!p0 $0x0, s1;
	[sflag:s0] =	ssyncset.done @!p0 $0x0  }
0x158: {  	[sflag:s0] =	ssyncadd.s32 @!p0 s1  }
0x159: {  	[bflag:$0x3] =	sbarrier.arrive $0xFFFF  }
0x15a: {  	_ =	shalt  }

</sc_bundles>
